<compile_context>
chip_gen: v7x
topology: tpu7x:2x2x1
jax: 0.10.2.dev20260603
libtpu: 0.0.44.dev20260713+nightly
codegen_flags: <defaults>
</compile_context>

<pallas_src>
import functools

import jax
import jax.numpy as jnp
from jax import lax
from jax.experimental import pallas as pl
from jax.experimental.pallas import tpu as pltpu
from jax.experimental.pallas import tpu_sc as plsc

N_NODES = 10000
N_PAD = 10112
E_EDGES = 320000
D = 128
NW = 32
CHUNK = 128
CPW = 80
E_PAD = NW * CPW * CHUNK
ROWS_PER_TILE = N_PAD // 16
B_SEL = 4096
SEL_PER_W = B_SEL // NW

_sc_mesh = plsc.VectorSubcoreMesh(core_axis_name="c", subcore_axis_name="s")



@functools.partial(
    pl.kernel,
    out_type=jax.ShapeDtypeStruct((2, N_PAD, D), jnp.float32),
    mesh=_sc_mesh,
    scratch_types=[
        pltpu.VMEM((CPW, CHUNK), jnp.int32),
        pltpu.VMEM((CHUNK, D), jnp.float32),
        pltpu.VMEM_SHARED((N_PAD, D), jnp.float32),
    ],
)
def _deg_kernel(dst2_hbm, ones_hbm, zeros_hbm, deg_out, dst_v, ones_v, acc_sh):
    c = lax.axis_index("c")
    s = lax.axis_index("s")
    pltpu.sync_copy(zeros_hbm.at[pl.ds(s * ROWS_PER_TILE, ROWS_PER_TILE)],
                    acc_sh.at[pl.ds(s * ROWS_PER_TILE, ROWS_PER_TILE)])
    pltpu.sync_copy(ones_hbm, ones_v)
    wid = c * 16 + s
    pltpu.sync_copy(dst2_hbm.at[pl.ds(wid * CPW, CPW)], dst_v)
    plsc.subcore_barrier()

    def body(j, carry):
        pltpu.sync_copy(ones_v, acc_sh.at[dst_v.at[j]], add=True)
        return carry

    lax.fori_loop(0, CPW, body, 0)
    plsc.subcore_barrier()
    pltpu.sync_copy(acc_sh.at[pl.ds(s * ROWS_PER_TILE, ROWS_PER_TILE)],
                    deg_out.at[c, pl.ds(s * ROWS_PER_TILE, ROWS_PER_TILE)])


@functools.partial(
    pl.kernel,
    out_type=jax.ShapeDtypeStruct((2, N_PAD, D), jnp.float32),
    mesh=_sc_mesh,
    scratch_types=[
        pltpu.VMEM((CPW, CHUNK), jnp.int32),
        pltpu.VMEM((1, CHUNK), jnp.int32),
        pltpu.VMEM((1, CHUNK), jnp.int32),
        pltpu.VMEM((CHUNK, D), jnp.float32),
        pltpu.VMEM((CHUNK, D), jnp.float32),
        pltpu.SemaphoreType.DMA,
        pltpu.SemaphoreType.DMA,
        pltpu.SemaphoreType.DMA,
        pltpu.SemaphoreType.DMA,
        pltpu.VMEM_SHARED((N_PAD, D), jnp.float32),
    ],
)
def _seg_kernel(g_hbm, src2_hbm, dst2_hbm, zeros_hbm, acc_out, dst_v, s0, s1,
                rows0, rows1, gsem0, gsem1, ssem0, ssem1, acc_sh):
    c = lax.axis_index("c")
    s = lax.axis_index("s")
    pltpu.sync_copy(zeros_hbm.at[pl.ds(s * ROWS_PER_TILE, ROWS_PER_TILE)],
                    acc_sh.at[pl.ds(s * ROWS_PER_TILE, ROWS_PER_TILE)])
    wid = c * 16 + s
    pltpu.sync_copy(dst2_hbm.at[pl.ds(wid * CPW, CPW)], dst_v)
    plsc.subcore_barrier()

    def issue_src(j, sbuf, sem):
        pltpu.async_copy(src2_hbm.at[pl.ds(wid * CPW + j, 1)], sbuf, sem)

    def wait_src(j, sbuf, sem):
        pltpu.make_async_copy(src2_hbm.at[pl.ds(wid * CPW + j, 1)], sbuf,
                              sem).wait()

    def issue_g(sbuf, rows, sem):
        pltpu.async_copy(g_hbm.at[sbuf.at[0]], rows, sem)

    def wait_g(sbuf, rows, sem):
        pltpu.make_async_copy(g_hbm.at[sbuf.at[0]], rows, sem).wait()

    def scat(j, rows):
        pltpu.sync_copy(rows, acc_sh.at[dst_v.at[j]], add=True)

    n_pair = CPW // 2
    issue_src(0, s0, ssem0)
    issue_src(1, s1, ssem1)
    wait_src(0, s0, ssem0)
    issue_g(s0, rows0, gsem0)

    def body(k, carry):
        j0 = 2 * k
        wait_g(s0, rows0, gsem0)
        wait_src(j0 + 1, s1, ssem1)
        issue_g(s1, rows1, gsem1)
        scat(j0, rows0)
        issue_src(j0 + 2, s0, ssem0)
        wait_g(s1, rows1, gsem1)
        wait_src(j0 + 2, s0, ssem0)
        issue_g(s0, rows0, gsem0)
        scat(j0 + 1, rows1)
        issue_src(j0 + 3, s1, ssem1)
        return carry

    lax.fori_loop(0, n_pair - 1, body, 0)
    jl = 2 * (n_pair - 1)
    wait_g(s0, rows0, gsem0)
    wait_src(jl + 1, s1, ssem1)
    issue_g(s1, rows1, gsem1)
    scat(jl, rows0)
    wait_g(s1, rows1, gsem1)
    scat(jl + 1, rows1)
    plsc.subcore_barrier()
    pltpu.sync_copy(acc_sh.at[pl.ds(s * ROWS_PER_TILE, ROWS_PER_TILE)],
                    acc_out.at[c, pl.ds(s * ROWS_PER_TILE, ROWS_PER_TILE)])


@functools.partial(
    pl.kernel,
    out_type=jax.ShapeDtypeStruct((B_SEL, D), jnp.float32),
    mesh=_sc_mesh,
    scratch_types=[
        pltpu.VMEM((SEL_PER_W,), jnp.int32),
        pltpu.VMEM((SEL_PER_W, D), jnp.float32),
        pltpu.SemaphoreType.DMA,
    ],
)
def _gather_kernel(h_hbm, idx_hbm, out_hbm, idx_v, rows_v, sem):
    c = lax.axis_index("c")
    s = lax.axis_index("s")
    wid = c * 16 + s
    base = wid * SEL_PER_W
    pltpu.sync_copy(idx_hbm.at[pl.ds(base, SEL_PER_W)], idx_v)
    pltpu.async_copy(h_hbm.at[idx_v], rows_v, sem).wait()
    pltpu.sync_copy(rows_v, out_hbm.at[pl.ds(base, SEL_PER_W)])



_BLK = 1000


def _tc1_body(x_ref, w_ref, da_ref, db_ref, g_ref, dinv_ref):
    deg = da_ref[...] + db_ref[...] + 1.0
    dinv = lax.rsqrt(deg)
    dinv_ref[...] = dinv
    hw = jnp.dot(x_ref[...], w_ref[...], preferred_element_type=jnp.float32)
    g_ref[...] = hw * dinv


def _tc1(x, w1, deg_a, deg_b):
    n_blk = N_NODES // _BLK
    return pl.pallas_call(
        _tc1_body,
        grid=(n_blk,),
        in_specs=[
            pl.BlockSpec((_BLK, D), lambda i: (i, 0)),
            pl.BlockSpec((D, D), lambda i: (0, 0)),
            pl.BlockSpec((_BLK, 1), lambda i: (i, 0)),
            pl.BlockSpec((_BLK, 1), lambda i: (i, 0)),
        ],
        out_specs=[
            pl.BlockSpec((_BLK, D), lambda i: (i, 0)),
            pl.BlockSpec((_BLK, 1), lambda i: (i, 0)),
        ],
        out_shape=[
            jax.ShapeDtypeStruct((N_NODES, D), jnp.float32),
            jax.ShapeDtypeStruct((N_NODES, 1), jnp.float32),
        ],
    )(x, w1, deg_a, deg_b)


def _tc2_body(aa_ref, ab_ref, g_ref, dinv_ref, b_ref, w_ref, g2_ref):
    dinv = dinv_ref[...]
    pre = dinv * (aa_ref[0] + ab_ref[0] + g_ref[...]) + b_ref[...]
    h = jnp.maximum(pre, 0.0)
    hw = jnp.dot(h, w_ref[...], preferred_element_type=jnp.float32)
    g2_ref[...] = hw * dinv


def _tc2(acc, g1, dinv, b1, w2):
    n_blk = N_NODES // _BLK
    return pl.pallas_call(
        _tc2_body,
        grid=(n_blk,),
        in_specs=[
            pl.BlockSpec((1, _BLK, D), lambda i: (0, i, 0)),
            pl.BlockSpec((1, _BLK, D), lambda i: (1, i, 0)),
            pl.BlockSpec((_BLK, D), lambda i: (i, 0)),
            pl.BlockSpec((_BLK, 1), lambda i: (i, 0)),
            pl.BlockSpec((1, D), lambda i: (0, 0)),
            pl.BlockSpec((D, D), lambda i: (0, 0)),
        ],
        out_specs=pl.BlockSpec((_BLK, D), lambda i: (i, 0)),
        out_shape=jax.ShapeDtypeStruct((N_NODES, D), jnp.float32),
    )(acc, acc, g1, dinv, b1, w2)


def _tc3_body(aa_ref, ab_ref, g_ref, dinv_ref, b_ref, h_ref):
    pre = dinv_ref[...] * (aa_ref[0] + ab_ref[0] + g_ref[...]) + b_ref[...]
    h_ref[...] = jnp.maximum(pre, 0.0)


def _tc3(acc, g2, dinv, b2):
    n_blk = N_NODES // _BLK
    return pl.pallas_call(
        _tc3_body,
        grid=(n_blk,),
        in_specs=[
            pl.BlockSpec((1, _BLK, D), lambda i: (0, i, 0)),
            pl.BlockSpec((1, _BLK, D), lambda i: (1, i, 0)),
            pl.BlockSpec((_BLK, D), lambda i: (i, 0)),
            pl.BlockSpec((_BLK, 1), lambda i: (i, 0)),
            pl.BlockSpec((1, D), lambda i: (0, 0)),
        ],
        out_specs=pl.BlockSpec((_BLK, D), lambda i: (i, 0)),
        out_shape=jax.ShapeDtypeStruct((N_NODES, D), jnp.float32),
    )(acc, acc, g2, dinv, b2)


def _tc4_body(sel_ref, wt_ref, mut_ref, a1_ref, a2_ref, a3_ref, bh1_ref,
              w2_ref, bh2_ref, w3t_ref, bh3_ref, out_ref):
    z = (jnp.dot(sel_ref[...], a1_ref[...], preferred_element_type=jnp.float32)
         + jnp.dot(wt_ref[...], a2_ref[...], preferred_element_type=jnp.float32)
         + jnp.dot(mut_ref[...], a3_ref[...], preferred_element_type=jnp.float32)
         + bh1_ref[...])
    z = jnp.maximum(z, 0.0)
    z = jnp.dot(z, w2_ref[...], preferred_element_type=jnp.float32) + bh2_ref[...]
    z = jnp.maximum(z, 0.0)
    o = jnp.sum(z * w3t_ref[...], axis=1, keepdims=True) + bh3_ref[...]
    out_ref[...] = o


def _tc4(sel, wt, mut, a1, a2, a3, bh1, w2, bh2, w3t, bh3):
    return pl.pallas_call(
        _tc4_body,
        out_shape=jax.ShapeDtypeStruct((B_SEL, 1), jnp.float32),
    )(sel, wt, mut, a1, a2, a3, bh1, w2, bh2, w3t, bh3)



def kernel(x, edge_index, var_node_idx, wt_onehot, mut_onehot,
           W1, b1, W2, b2, Wh1, bh1, Wh2, bh2, Wh3, bh3):
    zeros_acc = jnp.zeros((N_PAD, D), jnp.float32)
    ones128 = jnp.ones((CHUNK, D), jnp.float32)
    n_extra = E_PAD - E_EDGES
    ar = jnp.arange(n_extra, dtype=jnp.int32)
    src_fill = (ar * 997) % N_NODES
    src2 = jnp.concatenate([edge_index[0], src_fill]).reshape(-1, CHUNK)
    dst_fill = N_NODES + (ar * 13) % (N_PAD - N_NODES)
    dst2 = jnp.concatenate([edge_index[1], dst_fill]).reshape(-1, CHUNK)
    degp = _deg_kernel(dst2, ones128, zeros_acc)
    deg_a = degp[0, :N_NODES, 0:1]
    deg_b = degp[1, :N_NODES, 0:1]

    g1, dinv = _tc1(x, W1, deg_a, deg_b)

    acc1 = _seg_kernel(g1, src2, dst2, zeros_acc)
    g2 = _tc2(acc1, g1, dinv, b1.reshape(1, D), W2)

    acc2 = _seg_kernel(g2, src2, dst2, zeros_acc)
    h2 = _tc3(acc2, g2, dinv, b2.reshape(1, D))

    sel = _gather_kernel(h2, var_node_idx)

    out = _tc4(sel, wt_onehot, mut_onehot,
               Wh1[:D], Wh1[D:D + 20], Wh1[D + 20:D + 40],
               bh1.reshape(1, -1), Wh2, bh2.reshape(1, -1),
               Wh3.reshape(1, -1), bh3.reshape(1, 1))
    return out[:, 0]

# --- scband reference (transcript-rebuilt; emitter-appended) ---
"""Pipeline reference for scband-gcn-21028159881585 (READ-ONLY COPY).

The authoritative reference and input builder live on the scoring server;
editing this copy changes nothing except your own understanding.
"""

import jax, jax.numpy as jnp
import numpy as np

N = 10000
E = 320000
D_IN = 128
HID = 128
HEAD_H = 128
B = 4096


def setup_inputs(seed: int = 0) -> dict:
    key = jax.random.key(seed)
    ks = jax.random.split(key, 16)
    x = jax.random.normal(ks[0], (N, D_IN), dtype=jnp.float32)
    edge_index = jax.random.randint(ks[1], (2, E), 0, N, dtype=jnp.int32)
    var_node_idx = jax.random.randint(ks[2], (B,), 0, N, dtype=jnp.int32)
    wt_onehot = jax.random.uniform(ks[3], (B, 20), dtype=jnp.float32)
    mut_onehot = jax.random.uniform(ks[4], (B, 20), dtype=jnp.float32)
    # GCNConv layer params
    W1 = jax.random.normal(ks[5], (D_IN, HID), dtype=jnp.float32) * (1.0 / np.sqrt(D_IN))
    b1 = jnp.zeros((HID,), dtype=jnp.float32)
    W2 = jax.random.normal(ks[6], (HID, HID), dtype=jnp.float32) * (1.0 / np.sqrt(HID))
    b2 = jnp.zeros((HID,), dtype=jnp.float32)
    # head MLP params: Linear(hidden+40, head_h) -> Linear(head_h, head_h//2) -> Linear(head_h//2, 1)
    Wh1 = jax.random.normal(ks[7], (HID + 40, HEAD_H), dtype=jnp.float32) * (1.0 / np.sqrt(HID + 40))
    bh1 = jnp.zeros((HEAD_H,), dtype=jnp.float32)
    Wh2 = jax.random.normal(ks[8], (HEAD_H, HEAD_H // 2), dtype=jnp.float32) * (1.0 / np.sqrt(HEAD_H))
    bh2 = jnp.zeros((HEAD_H // 2,), dtype=jnp.float32)
    Wh3 = jax.random.normal(ks[9], (HEAD_H // 2, 1), dtype=jnp.float32) * (1.0 / np.sqrt(HEAD_H // 2))
    bh3 = jnp.zeros((1,), dtype=jnp.float32)
    return {"x": x, "edge_index": edge_index, "var_node_idx": var_node_idx,
            "wt_onehot": wt_onehot, "mut_onehot": mut_onehot,
            "W1": W1, "b1": b1, "W2": W2, "b2": b2,
            "Wh1": Wh1, "bh1": bh1, "Wh2": Wh2, "bh2": bh2, "Wh3": Wh3, "bh3": bh3}


def gcn_conv(h, src, dst, W, b, n_nodes):
    # add self loops
    loop = jnp.arange(n_nodes, dtype=src.dtype)
    s = jnp.concatenate([src, loop])
    d = jnp.concatenate([dst, loop])
    ones = jnp.ones(s.shape[0], dtype=h.dtype)
    deg = jax.ops.segment_sum(ones, d, num_segments=n_nodes)
    dinv = jnp.where(deg > 0, 1.0 / jnp.sqrt(deg), 0.0)
    norm = dinv[s] * dinv[d]
    hw = h @ W
    msg = hw[s] * norm[:, None]
    out = jax.ops.segment_sum(msg, d, num_segments=n_nodes)
    return out + b


def reference(x, edge_index, var_node_idx, wt_onehot, mut_onehot,
              W1, b1, W2, b2, Wh1, bh1, Wh2, bh2, Wh3, bh3):
    src = edge_index[0]
    dst = edge_index[1]
    h = gcn_conv(x, src, dst, W1, b1, N)
    h = jax.nn.relu(h)
    # dropout inactive (eval mode)
    h = gcn_conv(h, src, dst, W2, b2, N)
    h = jax.nn.relu(h)
    selected = h[var_node_idx]
    combined = jnp.concatenate([selected, wt_onehot, mut_onehot], axis=-1)
    z = jax.nn.relu(combined @ Wh1 + bh1)
    z = jax.nn.relu(z @ Wh2 + bh2)
    out = z @ Wh3 + bh3
    return jnp.squeeze(out, axis=-1)

if __name__ == "__main__":
    import jax
    _d = setup_inputs()
    print(jax.jit(kernel)(*tuple(_d.values())))

</pallas_src>

<mosaic_0001>
#map = affine_map<(d0, d1) -> (0, 0)>
#map1 = affine_map<(d0, d1) -> (0)>
module attributes {stable_mosaic.version = 14 : i64} {
  func.func @_gather_kernel(%arg0: i32, %arg1: i32, %arg2: memref<10000x128xf32, #tpu.memory_space<hbm>>, %arg3: memref<4096xi32, #tpu.memory_space<hbm>>, %arg4: memref<4096x128xf32, #tpu.memory_space<hbm>>, %arg5: memref<128xi32, #tpu.memory_space<vmem>>, %arg6: memref<128x128xf32, #tpu.memory_space<vmem>>, %arg7: memref<!tpu.dma_semaphore, #tpu.memory_space<semaphore_mem>>) attributes {dimension_semantics = [#tpu.dimension_semantics<core_parallel>, #tpu.dimension_semantics<subcore_parallel>], iteration_bounds = array<i64: 2, 16>, scalar_prefetch = 0 : i64, scratch_operands = 3 : i64, tpu.core_type = #tpu.core_type<sc_vector_subcore>, window_params = [{transform_indices = #map}, {transform_indices = #map1}, {transform_indices = #map}]} {
    %mul3A = arith.constant 16 : i32
    %mul3A_0 = arith.muli %arg0, %mul3A : i32
    %add3A = arith.addi %mul3A_0, %arg1 : i32
    %mul3A_1 = arith.constant 128 : i32
    %mul3A_2 = arith.muli %add3A, %mul3A_1 : i32
    "tpu.region"() ({
      %run_scoped3A = tpu.sem_alloc : memref<!tpu.dma_semaphore, #tpu.memory_space<semaphore_mem>>
      %dma_start3A_7 = tpu.memref_slice %arg3[%mul3A_2] : memref<4096xi32, #tpu.memory_space<hbm>> -> memref<128xi32, #tpu.memory_space<hbm>>
      %dma_start3A_8 = tpu.memref_slice %arg3[%mul3A_2] : memref<4096xi32, #tpu.memory_space<hbm>> -> memref<128xi32, #tpu.memory_space<hbm>>
      tpu.enqueue_dma source(%dma_start3A_8 : memref<128xi32, #tpu.memory_space<hbm>>) target(%arg5 : memref<128xi32, #tpu.memory_space<vmem>>) target_semaphore(%run_scoped3A : memref<!tpu.dma_semaphore, #tpu.memory_space<semaphore_mem>>)
      %dma_wait3A_9 = tpu.memref_slice %arg3[%mul3A_2] : memref<4096xi32, #tpu.memory_space<hbm>> -> memref<128xi32, #tpu.memory_space<hbm>>
      %dma_wait3A_10 = tpu.memref_slice %arg3[%mul3A_2] : memref<4096xi32, #tpu.memory_space<hbm>> -> memref<128xi32, #tpu.memory_space<hbm>>
      tpu.wait_dma2 semaphore(%run_scoped3A : memref<!tpu.dma_semaphore, #tpu.memory_space<semaphore_mem>>) src(%dma_wait3A_10 : memref<128xi32, #tpu.memory_space<hbm>>) dst(%arg5 : memref<128xi32, #tpu.memory_space<vmem>>)
      tpu.yield
    }) : () -> ()
    %dma_start3A = arith.constant 0 : i32
    %dma_start3A_3 = arith.constant 0 : i32
    %dma_start3A_4 = tpu.memref_slice %arg2[%dma_start3A, %dma_start3A_3] : memref<10000x128xf32, #tpu.memory_space<hbm>> -> memref<10000x128xf32, #tpu.memory_space<hbm>>
    tpu.enqueue_indirect_dma source(%dma_start3A_4 : memref<10000x128xf32, #tpu.memory_space<hbm>>) target(%arg6 : memref<128x128xf32, #tpu.memory_space<vmem>>) offsets(%arg5 : memref<128xi32, #tpu.memory_space<vmem>>) semaphore(%arg7 : memref<!tpu.dma_semaphore, #tpu.memory_space<semaphore_mem>>)
    %dma_wait3A = arith.constant 0 : i32
    %dma_wait3A_5 = arith.constant 0 : i32
    %dma_wait3A_6 = tpu.memref_slice %arg2[%dma_wait3A, %dma_wait3A_5] : memref<10000x128xf32, #tpu.memory_space<hbm>> -> memref<10000x128xf32, #tpu.memory_space<hbm>>
    tpu.wait_indirect_dma semaphore(%arg7 : memref<!tpu.dma_semaphore, #tpu.memory_space<semaphore_mem>>) src(%dma_wait3A_6 : memref<10000x128xf32, #tpu.memory_space<hbm>>) dst(%arg6 : memref<128x128xf32, #tpu.memory_space<vmem>>)
    "tpu.region"() ({
      %run_scoped3A = tpu.sem_alloc : memref<!tpu.dma_semaphore, #tpu.memory_space<semaphore_mem>>
      %dma_start3A_7 = arith.constant 0 : i32
      %dma_start3A_8 = tpu.memref_slice %arg4[%mul3A_2, %dma_start3A_7] : memref<4096x128xf32, #tpu.memory_space<hbm>> -> memref<128x128xf32, #tpu.memory_space<hbm>>
      %dma_start3A_9 = arith.constant 0 : i32
      %dma_start3A_10 = tpu.memref_slice %arg4[%mul3A_2, %dma_start3A_9] : memref<4096x128xf32, #tpu.memory_space<hbm>> -> memref<128x128xf32, #tpu.memory_space<hbm>>
      tpu.enqueue_dma source(%arg6 : memref<128x128xf32, #tpu.memory_space<vmem>>) target(%dma_start3A_10 : memref<128x128xf32, #tpu.memory_space<hbm>>) target_semaphore(%run_scoped3A : memref<!tpu.dma_semaphore, #tpu.memory_space<semaphore_mem>>)
      %dma_wait3A_11 = arith.constant 0 : i32
      %dma_wait3A_12 = tpu.memref_slice %arg4[%mul3A_2, %dma_wait3A_11] : memref<4096x128xf32, #tpu.memory_space<hbm>> -> memref<128x128xf32, #tpu.memory_space<hbm>>
      %dma_wait3A_13 = arith.constant 0 : i32
      %dma_wait3A_14 = tpu.memref_slice %arg4[%mul3A_2, %dma_wait3A_13] : memref<4096x128xf32, #tpu.memory_space<hbm>> -> memref<128x128xf32, #tpu.memory_space<hbm>>
      tpu.wait_dma2 semaphore(%run_scoped3A : memref<!tpu.dma_semaphore, #tpu.memory_space<semaphore_mem>>) src(%arg6 : memref<128x128xf32, #tpu.memory_space<vmem>>) dst(%dma_wait3A_14 : memref<128x128xf32, #tpu.memory_space<hbm>>)
      tpu.yield
    }) : () -> ()
    return
  }
}

#map = affine_map<(d0, d1) -> (0, 0)>
#map1 = affine_map<(d0, d1) -> (0, 0, 0)>
module attributes {stable_mosaic.version = 14 : i64} {
  func.func @_deg_kernel(%arg0: i32, %arg1: i32, %arg2: memref<2560x128xi32, #tpu.memory_space<hbm>>, %arg3: memref<128x128xf32, #tpu.memory_space<hbm>>, %arg4: memref<10112x128xf32, #tpu.memory_space<hbm>>, %arg5: memref<2x10112x128xf32, #tpu.memory_space<hbm>>, %arg6: memref<80x128xi32, #tpu.memory_space<vmem>>, %arg7: memref<128x128xf32, #tpu.memory_space<vmem>>, %arg8: memref<10112x128xf32, #tpu.memory_space<vmem_shared>>) attributes {dimension_semantics = [#tpu.dimension_semantics<core_parallel>, #tpu.dimension_semantics<subcore_parallel>], iteration_bounds = array<i64: 2, 16>, scalar_prefetch = 0 : i64, scratch_operands = 3 : i64, tpu.core_type = #tpu.core_type<sc_vector_subcore>, window_params = [{transform_indices = #map}, {transform_indices = #map}, {transform_indices = #map}, {transform_indices = #map1}]} {
    %mul3A = arith.constant 632 : i32
    %mul3A_0 = arith.muli %arg1, %mul3A : i32
    %mul3A_1 = arith.constant 632 : i32
    %mul3A_2 = arith.muli %arg1, %mul3A_1 : i32
    "tpu.region"() ({
      %run_scoped3A = tpu.sem_alloc : memref<!tpu.dma_semaphore, #tpu.memory_space<semaphore_mem>>
      %dma_start3A = arith.constant 0 : i32
      %dma_start3A_17 = tpu.memref_slice %arg8[%mul3A_2, %dma_start3A] : memref<10112x128xf32, #tpu.memory_space<vmem_shared>> -> memref<632x128xf32, #tpu.memory_space<vmem_shared>>
      %dma_start3A_18 = arith.constant 0 : i32
      %dma_start3A_19 = tpu.memref_slice %arg4[%mul3A_0, %dma_start3A_18] : memref<10112x128xf32, #tpu.memory_space<hbm>> -> memref<632x128xf32, #tpu.memory_space<hbm>>
      tpu.enqueue_dma source(%dma_start3A_19 : memref<632x128xf32, #tpu.memory_space<hbm>>) target(%dma_start3A_17 : memref<632x128xf32, #tpu.memory_space<vmem_shared>>) target_semaphore(%run_scoped3A : memref<!tpu.dma_semaphore, #tpu.memory_space<semaphore_mem>>)
      %dma_wait3A = arith.constant 0 : i32
      %dma_wait3A_20 = tpu.memref_slice %arg8[%mul3A_2, %dma_wait3A] : memref<10112x128xf32, #tpu.memory_space<vmem_shared>> -> memref<632x128xf32, #tpu.memory_space<vmem_shared>>
      %dma_wait3A_21 = arith.constant 0 : i32
      %dma_wait3A_22 = tpu.memref_slice %arg4[%mul3A_0, %dma_wait3A_21] : memref<10112x128xf32, #tpu.memory_space<hbm>> -> memref<632x128xf32, #tpu.memory_space<hbm>>
      tpu.wait_dma2 semaphore(%run_scoped3A : memref<!tpu.dma_semaphore, #tpu.memory_space<semaphore_mem>>) src(%dma_wait3A_22 : memref<632x128xf32, #tpu.memory_space<hbm>>) dst(%dma_wait3A_20 : memref<632x128xf32, #tpu.memory_space<vmem_shared>>)
      tpu.yield
    }) : () -> ()
    "tpu.region"() ({
      %run_scoped3A = tpu.sem_alloc : memref<!tpu.dma_semaphore, #tpu.memory_space<semaphore_mem>>
      tpu.enqueue_dma source(%arg3 : memref<128x128xf32, #tpu.memory_space<hbm>>) target(%arg7 : memref<128x128xf32, #tpu.memory_space<vmem>>) target_semaphore(%run_scoped3A : memref<!tpu.dma_semaphore, #tpu.memory_space<semaphore_mem>>)
      tpu.wait_dma2 semaphore(%run_scoped3A : memref<!tpu.dma_semaphore, #tpu.memory_space<semaphore_mem>>) src(%arg3 : memref<128x128xf32, #tpu.memory_space<hbm>>) dst(%arg7 : memref<128x128xf32, #tpu.memory_space<vmem>>)
      tpu.yield
    }) : () -> ()
    %mul3A_3 = arith.constant 16 : i32
    %mul3A_4 = arith.muli %arg0, %mul3A_3 : i32
    %add3A = arith.addi %mul3A_4, %arg1 : i32
    %mul3A_5 = arith.constant 80 : i32
    %mul3A_6 = arith.muli %add3A, %mul3A_5 : i32
    "tpu.region"() ({
      %run_scoped3A = tpu.sem_alloc : memref<!tpu.dma_semaphore, #tpu.memory_space<semaphore_mem>>
      %dma_start3A = arith.constant 0 : i32
      %dma_start3A_17 = tpu.memref_slice %arg2[%mul3A_6, %dma_start3A] : memref<2560x128xi32, #tpu.memory_space<hbm>> -> memref<80x128xi32, #tpu.memory_space<hbm>>
      %dma_start3A_18 = arith.constant 0 : i32
      %dma_start3A_19 = tpu.memref_slice %arg2[%mul3A_6, %dma_start3A_18] : memref<2560x128xi32, #tpu.memory_space<hbm>> -> memref<80x128xi32, #tpu.memory_space<hbm>>
      tpu.enqueue_dma source(%dma_start3A_19 : memref<80x128xi32, #tpu.memory_space<hbm>>) target(%arg6 : memref<80x128xi32, #tpu.memory_space<vmem>>) target_semaphore(%run_scoped3A : memref<!tpu.dma_semaphore, #tpu.memory_space<semaphore_mem>>)
      %dma_wait3A = arith.constant 0 : i32
      %dma_wait3A_20 = tpu.memref_slice %arg2[%mul3A_6, %dma_wait3A] : memref<2560x128xi32, #tpu.memory_space<hbm>> -> memref<80x128xi32, #tpu.memory_space<hbm>>
      %dma_wait3A_21 = arith.constant 0 : i32
      %dma_wait3A_22 = tpu.memref_slice %arg2[%mul3A_6, %dma_wait3A_21] : memref<2560x128xi32, #tpu.memory_space<hbm>> -> memref<80x128xi32, #tpu.memory_space<hbm>>
      tpu.wait_dma2 semaphore(%run_scoped3A : memref<!tpu.dma_semaphore, #tpu.memory_space<semaphore_mem>>) src(%dma_wait3A_22 : memref<80x128xi32, #tpu.memory_space<hbm>>) dst(%arg6 : memref<80x128xi32, #tpu.memory_space<vmem>>)
      tpu.yield
    }) : () -> ()
    %barrier3A = arith.constant 0 : index
    tpu.barrier barrier_id(%barrier3A)
    %scan3A = arith.constant 0 : i32
    %scan3A_7 = arith.constant 0 : i32
    %scan3A_8 = arith.constant 80 : i32
    %scan3A_9 = arith.addi %scan3A_7, %scan3A_8 : i32
    %scan3A_10 = arith.constant 1 : i32
    scf.for %scan3A_17 = %scan3A_7 to %scan3A_9 step %scan3A_10  : i32 {
      "tpu.region"() ({
        %run_scoped3A = tpu.sem_alloc : memref<!tpu.dma_semaphore, #tpu.memory_space<semaphore_mem>>
        %dma_start3A = arith.constant 0 : i32
        %dma_start3A_18 = tpu.memref_slice %arg6[%scan3A_17, %dma_start3A] : memref<80x128xi32, #tpu.memory_space<vmem>> -> memref<1x128xi32, #tpu.memory_space<vmem>>
        %dma_start3A_19 = tpu.memref_squeeze %dma_start3A_18 : memref<1x128xi32, #tpu.memory_space<vmem>> -> memref<128xi32, #tpu.memory_space<vmem>>
        %dma_start3A_20 = arith.constant 0 : i32
        %dma_start3A_21 = arith.constant 0 : i32
        %dma_start3A_22 = tpu.memref_slice %arg8[%dma_start3A_20, %dma_start3A_21] : memref<10112x128xf32, #tpu.memory_space<vmem_shared>> -> memref<10112x128xf32, #tpu.memory_space<vmem_shared>>
        tpu.enqueue_indirect_dma source(%arg7 : memref<128x128xf32, #tpu.memory_space<vmem>>) target(%dma_start3A_22 : memref<10112x128xf32, #tpu.memory_space<vmem_shared>>) offsets(%dma_start3A_19 : memref<128xi32, #tpu.memory_space<vmem>>) semaphore(%run_scoped3A : memref<!tpu.dma_semaphore, #tpu.memory_space<semaphore_mem>>) {add = true}
        %dma_wait3A = arith.constant 0 : i32
        %dma_wait3A_23 = tpu.memref_slice %arg6[%scan3A_17, %dma_wait3A] : memref<80x128xi32, #tpu.memory_space<vmem>> -> memref<1x128xi32, #tpu.memory_space<vmem>>
        %dma_wait3A_24 = tpu.memref_squeeze %dma_wait3A_23 : memref<1x128xi32, #tpu.memory_space<vmem>> -> memref<128xi32, #tpu.memory_space<vmem>>
        %dma_wait3A_25 = arith.constant 0 : i32
        %dma_wait3A_26 = arith.constant 0 : i32
        %dma_wait3A_27 = tpu.memref_slice %arg8[%dma_wait3A_25, %dma_wait3A_26] : memref<10112x128xf32, #tpu.memory_space<vmem_shared>> -> memref<10112x128xf32, #tpu.memory_space<vmem_shared>>
        tpu.wait_indirect_dma semaphore(%run_scoped3A : memref<!tpu.dma_semaphore, #tpu.memory_space<semaphore_mem>>) src(%arg7 : memref<128x128xf32, #tpu.memory_space<vmem>>) dst(%dma_wait3A_27 : memref<10112x128xf32, #tpu.memory_space<vmem_shared>>)
        tpu.yield
      }) : () -> ()
    }
    %scan3A_11 = arith.constant 80 : i32
    %barrier3A_12 = arith.constant 0 : index
    tpu.barrier barrier_id(%barrier3A_12)
    %mul3A_13 = arith.constant 632 : i32
    %mul3A_14 = arith.muli %arg1, %mul3A_13 : i32
    %mul3A_15 = arith.constant 632 : i32
    %mul3A_16 = arith.muli %arg1, %mul3A_15 : i32
    "tpu.region"() ({
      %run_scoped3A = tpu.sem_alloc : memref<!tpu.dma_semaphore, #tpu.memory_space<semaphore_mem>>
      %dma_start3A = arith.constant 0 : i32
      %dma_start3A_17 = tpu.memref_slice %arg5[%arg0, %mul3A_16, %dma_start3A] : memref<2x10112x128xf32, #tpu.memory_space<hbm>> -> memref<1x632x128xf32, #tpu.memory_space<hbm>>
      %dma_start3A_18 = tpu.memref_squeeze %dma_start3A_17 : memref<1x632x128xf32, #tpu.memory_space<hbm>> -> memref<632x128xf32, #tpu.memory_space<hbm>>
      %dma_start3A_19 = arith.constant 0 : i32
      %dma_start3A_20 = tpu.memref_slice %arg8[%mul3A_14, %dma_start3A_19] : memref<10112x128xf32, #tpu.memory_space<vmem_shared>> -> memref<632x128xf32, #tpu.memory_space<vmem_shared>>
      tpu.enqueue_dma source(%dma_start3A_20 : memref<632x128xf32, #tpu.memory_space<vmem_shared>>) target(%dma_start3A_18 : memref<632x128xf32, #tpu.memory_space<hbm>>) target_semaphore(%run_scoped3A : memref<!tpu.dma_semaphore, #tpu.memory_space<semaphore_mem>>)
      %dma_wait3A = arith.constant 0 : i32
      %dma_wait3A_21 = tpu.memref_slice %arg5[%arg0, %mul3A_16, %dma_wait3A] : memref<2x10112x128xf32, #tpu.memory_space<hbm>> -> memref<1x632x128xf32, #tpu.memory_space<hbm>>
      %dma_wait3A_22 = tpu.memref_squeeze %dma_wait3A_21 : memref<1x632x128xf32, #tpu.memory_space<hbm>> -> memref<632x128xf32, #tpu.memory_space<hbm>>
      %dma_wait3A_23 = arith.constant 0 : i32
      %dma_wait3A_24 = tpu.memref_slice %arg8[%mul3A_14, %dma_wait3A_23] : memref<10112x128xf32, #tpu.memory_space<vmem_shared>> -> memref<632x128xf32, #tpu.memory_space<vmem_shared>>
      tpu.wait_dma2 semaphore(%run_scoped3A : memref<!tpu.dma_semaphore, #tpu.memory_space<semaphore_mem>>) src(%dma_wait3A_24 : memref<632x128xf32, #tpu.memory_space<vmem_shared>>) dst(%dma_wait3A_22 : memref<632x128xf32, #tpu.memory_space<hbm>>)
      tpu.yield
    }) : () -> ()
    return
  }
}

#map = affine_map<(d0, d1) -> (0, 0)>
#map1 = affine_map<(d0, d1) -> (0, 0, 0)>
module attributes {stable_mosaic.version = 14 : i64} {
  func.func @_seg_kernel(%arg0: i32, %arg1: i32, %arg2: memref<10000x128xf32, #tpu.memory_space<hbm>>, %arg3: memref<2560x128xi32, #tpu.memory_space<hbm>>, %arg4: memref<2560x128xi32, #tpu.memory_space<hbm>>, %arg5: memref<10112x128xf32, #tpu.memory_space<hbm>>, %arg6: memref<2x10112x128xf32, #tpu.memory_space<hbm>>, %arg7: memref<80x128xi32, #tpu.memory_space<vmem>>, %arg8: memref<1x128xi32, #tpu.memory_space<vmem>>, %arg9: memref<1x128xi32, #tpu.memory_space<vmem>>, %arg10: memref<128x128xf32, #tpu.memory_space<vmem>>, %arg11: memref<128x128xf32, #tpu.memory_space<vmem>>, %arg12: memref<!tpu.dma_semaphore, #tpu.memory_space<semaphore_mem>>, %arg13: memref<!tpu.dma_semaphore, #tpu.memory_space<semaphore_mem>>, %arg14: memref<!tpu.dma_semaphore, #tpu.memory_space<semaphore_mem>>, %arg15: memref<!tpu.dma_semaphore, #tpu.memory_space<semaphore_mem>>, %arg16: memref<10112x128xf32, #tpu.memory_space<vmem_shared>>) attributes {dimension_semantics = [#tpu.dimension_semantics<core_parallel>, #tpu.dimension_semantics<subcore_parallel>], iteration_bounds = array<i64: 2, 16>, scalar_prefetch = 0 : i64, scratch_operands = 10 : i64, tpu.core_type = #tpu.core_type<sc_vector_subcore>, window_params = [{transform_indices = #map}, {transform_indices = #map}, {transform_indices = #map}, {transform_indices = #map}, {transform_indices = #map1}]} {
    %mul3A = arith.constant 632 : i32
    %mul3A_0 = arith.muli %arg1, %mul3A : i32
    %mul3A_1 = arith.constant 632 : i32
    %mul3A_2 = arith.muli %arg1, %mul3A_1 : i32
    "tpu.region"() ({
      %run_scoped3A_76 = tpu.sem_alloc : memref<!tpu.dma_semaphore, #tpu.memory_space<semaphore_mem>>
      %dma_start3A_77 = arith.constant 0 : i32
      %dma_start3A_78 = tpu.memref_slice %arg16[%mul3A_2, %dma_start3A_77] : memref<10112x128xf32, #tpu.memory_space<vmem_shared>> -> memref<632x128xf32, #tpu.memory_space<vmem_shared>>
      %dma_start3A_79 = arith.constant 0 : i32
      %dma_start3A_80 = tpu.memref_slice %arg5[%mul3A_0, %dma_start3A_79] : memref<10112x128xf32, #tpu.memory_space<hbm>> -> memref<632x128xf32, #tpu.memory_space<hbm>>
      tpu.enqueue_dma source(%dma_start3A_80 : memref<632x128xf32, #tpu.memory_space<hbm>>) target(%dma_start3A_78 : memref<632x128xf32, #tpu.memory_space<vmem_shared>>) target_semaphore(%run_scoped3A_76 : memref<!tpu.dma_semaphore, #tpu.memory_space<semaphore_mem>>)
      %dma_wait3A_81 = arith.constant 0 : i32
      %dma_wait3A_82 = tpu.memref_slice %arg16[%mul3A_2, %dma_wait3A_81] : memref<10112x128xf32, #tpu.memory_space<vmem_shared>> -> memref<632x128xf32, #tpu.memory_space<vmem_shared>>
      %dma_wait3A_83 = arith.constant 0 : i32
      %dma_wait3A_84 = tpu.memref_slice %arg5[%mul3A_0, %dma_wait3A_83] : memref<10112x128xf32, #tpu.memory_space<hbm>> -> memref<632x128xf32, #tpu.memory_space<hbm>>
      tpu.wait_dma2 semaphore(%run_scoped3A_76 : memref<!tpu.dma_semaphore, #tpu.memory_space<semaphore_mem>>) src(%dma_wait3A_84 : memref<632x128xf32, #tpu.memory_space<hbm>>) dst(%dma_wait3A_82 : memref<632x128xf32, #tpu.memory_space<vmem_shared>>)
      tpu.yield
    }) : () -> ()
    %mul3A_3 = arith.constant 16 : i32
    %mul3A_4 = arith.muli %arg0, %mul3A_3 : i32
    %add3A = arith.addi %mul3A_4, %arg1 : i32
    %mul3A_5 = arith.constant 80 : i32
    %mul3A_6 = arith.muli %add3A, %mul3A_5 : i32
    "tpu.region"() ({
      %run_scoped3A_76 = tpu.sem_alloc : memref<!tpu.dma_semaphore, #tpu.memory_space<semaphore_mem>>
      %dma_start3A_77 = arith.constant 0 : i32
      %dma_start3A_78 = tpu.memref_slice %arg4[%mul3A_6, %dma_start3A_77] : memref<2560x128xi32, #tpu.memory_space<hbm>> -> memref<80x128xi32, #tpu.memory_space<hbm>>
      %dma_start3A_79 = arith.constant 0 : i32
      %dma_start3A_80 = tpu.memref_slice %arg4[%mul3A_6, %dma_start3A_79] : memref<2560x128xi32, #tpu.memory_space<hbm>> -> memref<80x128xi32, #tpu.memory_space<hbm>>
      tpu.enqueue_dma source(%dma_start3A_80 : memref<80x128xi32, #tpu.memory_space<hbm>>) target(%arg7 : memref<80x128xi32, #tpu.memory_space<vmem>>) target_semaphore(%run_scoped3A_76 : memref<!tpu.dma_semaphore, #tpu.memory_space<semaphore_mem>>)
      %dma_wait3A_81 = arith.constant 0 : i32
      %dma_wait3A_82 = tpu.memref_slice %arg4[%mul3A_6, %dma_wait3A_81] : memref<2560x128xi32, #tpu.memory_space<hbm>> -> memref<80x128xi32, #tpu.memory_space<hbm>>
      %dma_wait3A_83 = arith.constant 0 : i32
      %dma_wait3A_84 = tpu.memref_slice %arg4[%mul3A_6, %dma_wait3A_83] : memref<2560x128xi32, #tpu.memory_space<hbm>> -> memref<80x128xi32, #tpu.memory_space<hbm>>
      tpu.wait_dma2 semaphore(%run_scoped3A_76 : memref<!tpu.dma_semaphore, #tpu.memory_space<semaphore_mem>>) src(%dma_wait3A_84 : memref<80x128xi32, #tpu.memory_space<hbm>>) dst(%arg7 : memref<80x128xi32, #tpu.memory_space<vmem>>)
      tpu.yield
    }) : () -> ()
    %barrier3A = arith.constant 0 : index
    tpu.barrier barrier_id(%barrier3A)
    %mul3A_7 = arith.constant 80 : i32
    %mul3A_8 = arith.muli %add3A, %mul3A_7 : i32
    %add3A_9 = arith.constant 0 : i32
    %add3A_10 = arith.addi %mul3A_8, %add3A_9 : i32
    %dma_start3A = arith.constant 0 : i32
    %dma_start3A_11 = tpu.memref_slice %arg3[%add3A_10, %dma_start3A] : memref<2560x128xi32, #tpu.memory_space<hbm>> -> memref<1x128xi32, #tpu.memory_space<hbm>>
    %dma_start3A_12 = arith.constant 0 : i32
    %dma_start3A_13 = tpu.memref_slice %arg3[%add3A_10, %dma_start3A_12] : memref<2560x128xi32, #tpu.memory_space<hbm>> -> memref<1x128xi32, #tpu.memory_space<hbm>>
    tpu.enqueue_dma source(%dma_start3A_13 : memref<1x128xi32, #tpu.memory_space<hbm>>) target(%arg8 : memref<1x128xi32, #tpu.memory_space<vmem>>) target_semaphore(%arg14 : memref<!tpu.dma_semaphore, #tpu.memory_space<semaphore_mem>>)
    %mul3A_14 = arith.constant 80 : i32
    %mul3A_15 = arith.muli %add3A, %mul3A_14 : i32
    %add3A_16 = arith.constant 1 : i32
    %add3A_17 = arith.addi %mul3A_15, %add3A_16 : i32
    %dma_start3A_18 = arith.constant 0 : i32
    %dma_start3A_19 = tpu.memref_slice %arg3[%add3A_17, %dma_start3A_18] : memref<2560x128xi32, #tpu.memory_space<hbm>> -> memref<1x128xi32, #tpu.memory_space<hbm>>
    %dma_start3A_20 = arith.constant 0 : i32
    %dma_start3A_21 = tpu.memref_slice %arg3[%add3A_17, %dma_start3A_20] : memref<2560x128xi32, #tpu.memory_space<hbm>> -> memref<1x128xi32, #tpu.memory_space<hbm>>
    tpu.enqueue_dma source(%dma_start3A_21 : memref<1x128xi32, #tpu.memory_space<hbm>>) target(%arg9 : memref<1x128xi32, #tpu.memory_space<vmem>>) target_semaphore(%arg15 : memref<!tpu.dma_semaphore, #tpu.memory_space<semaphore_mem>>)
    %mul3A_22 = arith.constant 80 : i32
    %mul3A_23 = arith.muli %add3A, %mul3A_22 : i32
    %add3A_24 = arith.constant 0 : i32
    %add3A_25 = arith.addi %mul3A_23, %add3A_24 : i32
    %dma_wait3A = arith.constant 0 : i32
    %dma_wait3A_26 = tpu.memref_slice %arg3[%add3A_25, %dma_wait3A] : memref<2560x128xi32, #tpu.memory_space<hbm>> -> memref<1x128xi32, #tpu.memory_space<hbm>>
    %dma_wait3A_27 = arith.constant 0 : i32
    %dma_wait3A_28 = tpu.memref_slice %arg3[%add3A_25, %dma_wait3A_27] : memref<2560x128xi32, #tpu.memory_space<hbm>> -> memref<1x128xi32, #tpu.memory_space<hbm>>
    tpu.wait_dma2 semaphore(%arg14 : memref<!tpu.dma_semaphore, #tpu.memory_space<semaphore_mem>>) src(%dma_wait3A_28 : memref<1x128xi32, #tpu.memory_space<hbm>>) dst(%arg8 : memref<1x128xi32, #tpu.memory_space<vmem>>)
    %dma_start3A_29 = arith.constant 0 : i32
    %dma_start3A_30 = arith.constant 0 : i32
    %dma_start3A_31 = tpu.memref_slice %arg8[%dma_start3A_29, %dma_start3A_30] : memref<1x128xi32, #tpu.memory_space<vmem>> -> memref<1x128xi32, #tpu.memory_space<vmem>>
    %dma_start3A_32 = tpu.memref_squeeze %dma_start3A_31 : memref<1x128xi32, #tpu.memory_space<vmem>> -> memref<128xi32, #tpu.memory_space<vmem>>
    %dma_start3A_33 = arith.constant 0 : i32
    %dma_start3A_34 = arith.constant 0 : i32
    %dma_start3A_35 = tpu.memref_slice %arg2[%dma_start3A_33, %dma_start3A_34] : memref<10000x128xf32, #tpu.memory_space<hbm>> -> memref<10000x128xf32, #tpu.memory_space<hbm>>
    tpu.enqueue_indirect_dma source(%dma_start3A_35 : memref<10000x128xf32, #tpu.memory_space<hbm>>) target(%arg10 : memref<128x128xf32, #tpu.memory_space<vmem>>) offsets(%dma_start3A_32 : memref<128xi32, #tpu.memory_space<vmem>>) semaphore(%arg12 : memref<!tpu.dma_semaphore, #tpu.memory_space<semaphore_mem>>)
    %scan3A = arith.constant 0 : i32
    %scan3A_36 = arith.constant 0 : i32
    %scan3A_37 = arith.constant 39 : i32
    %scan3A_38 = arith.addi %scan3A_36, %scan3A_37 : i32
    %scan3A_39 = arith.constant 1 : i32
    scf.for %scan3A_76 = %scan3A_36 to %scan3A_38 step %scan3A_39  : i32 {
      %mul3A_77 = arith.constant 2 : i32
      %mul3A_78 = arith.muli %mul3A_77, %scan3A_76 : i32
      %dma_wait3A_79 = arith.constant 0 : i32
      %dma_wait3A_80 = arith.constant 0 : i32
      %dma_wait3A_81 = tpu.memref_slice %arg8[%dma_wait3A_79, %dma_wait3A_80] : memref<1x128xi32, #tpu.memory_space<vmem>> -> memref<1x128xi32, #tpu.memory_space<vmem>>
      %dma_wait3A_82 = tpu.memref_squeeze %dma_wait3A_81 : memref<1x128xi32, #tpu.memory_space<vmem>> -> memref<128xi32, #tpu.memory_space<vmem>>
      %dma_wait3A_83 = arith.constant 0 : i32
      %dma_wait3A_84 = arith.constant 0 : i32
      %dma_wait3A_85 = tpu.memref_slice %arg2[%dma_wait3A_83, %dma_wait3A_84] : memref<10000x128xf32, #tpu.memory_space<hbm>> -> memref<10000x128xf32, #tpu.memory_space<hbm>>
      tpu.wait_indirect_dma semaphore(%arg12 : memref<!tpu.dma_semaphore, #tpu.memory_space<semaphore_mem>>) src(%dma_wait3A_85 : memref<10000x128xf32, #tpu.memory_space<hbm>>) dst(%arg10 : memref<128x128xf32, #tpu.memory_space<vmem>>)
      %add3A_86 = arith.constant 1 : i32
      %add3A_87 = arith.addi %mul3A_78, %add3A_86 : i32
      %mul3A_88 = arith.constant 80 : i32
      %mul3A_89 = arith.muli %add3A, %mul3A_88 : i32
      %add3A_90 = arith.addi %mul3A_89, %add3A_87 : i32
      %dma_wait3A_91 = arith.constant 0 : i32
      %dma_wait3A_92 = tpu.memref_slice %arg3[%add3A_90, %dma_wait3A_91] : memref<2560x128xi32, #tpu.memory_space<hbm>> -> memref<1x128xi32, #tpu.memory_space<hbm>>
      %dma_wait3A_93 = arith.constant 0 : i32
      %dma_wait3A_94 = tpu.memref_slice %arg3[%add3A_90, %dma_wait3A_93] : memref<2560x128xi32, #tpu.memory_space<hbm>> -> memref<1x128xi32, #tpu.memory_space<hbm>>
      tpu.wait_dma2 semaphore(%arg15 : memref<!tpu.dma_semaphore, #tpu.memory_space<semaphore_mem>>) src(%dma_wait3A_94 : memref<1x128xi32, #tpu.memory_space<hbm>>) dst(%arg9 : memref<1x128xi32, #tpu.memory_space<vmem>>)
      %dma_start3A_95 = arith.constant 0 : i32
      %dma_start3A_96 = arith.constant 0 : i32
      %dma_start3A_97 = tpu.memref_slice %arg9[%dma_start3A_95, %dma_start3A_96] : memref<1x128xi32, #tpu.memory_space<vmem>> -> memref<1x128xi32, #tpu.memory_space<vmem>>
      %dma_start3A_98 = tpu.memref_squeeze %dma_start3A_97 : memref<1x128xi32, #tpu.memory_space<vmem>> -> memref<128xi32, #tpu.memory_space<vmem>>
      %dma_start3A_99 = arith.constant 0 : i32
      %dma_start3A_100 = arith.constant 0 : i32
      %dma_start3A_101 = tpu.memref_slice %arg2[%dma_start3A_99, %dma_start3A_100] : memref<10000x128xf32, #tpu.memory_space<hbm>> -> memref<10000x128xf32, #tpu.memory_space<hbm>>
      tpu.enqueue_indirect_dma source(%dma_start3A_101 : memref<10000x128xf32, #tpu.memory_space<hbm>>) target(%arg11 : memref<128x128xf32, #tpu.memory_space<vmem>>) offsets(%dma_start3A_98 : memref<128xi32, #tpu.memory_space<vmem>>) semaphore(%arg13 : memref<!tpu.dma_semaphore, #tpu.memory_space<semaphore_mem>>)
      "tpu.region"() ({
        %run_scoped3A_145 = tpu.sem_alloc : memref<!tpu.dma_semaphore, #tpu.memory_space<semaphore_mem>>
        %dma_start3A_146 = arith.constant 0 : i32
        %dma_start3A_147 = tpu.memref_slice %arg7[%mul3A_78, %dma_start3A_146] : memref<80x128xi32, #tpu.memory_space<vmem>> -> memref<1x128xi32, #tpu.memory_space<vmem>>
        %dma_start3A_148 = tpu.memref_squeeze %dma_start3A_147 : memref<1x128xi32, #tpu.memory_space<vmem>> -> memref<128xi32, #tpu.memory_space<vmem>>
        %dma_start3A_149 = arith.constant 0 : i32
        %dma_start3A_150 = arith.constant 0 : i32
        %dma_start3A_151 = tpu.memref_slice %arg16[%dma_start3A_149, %dma_start3A_150] : memref<10112x128xf32, #tpu.memory_space<vmem_shared>> -> memref<10112x128xf32, #tpu.memory_space<vmem_shared>>
        tpu.enqueue_indirect_dma source(%arg10 : memref<128x128xf32, #tpu.memory_space<vmem>>) target(%dma_start3A_151 : memref<10112x128xf32, #tpu.memory_space<vmem_shared>>) offsets(%dma_start3A_148 : memref<128xi32, #tpu.memory_space<vmem>>) semaphore(%run_scoped3A_145 : memref<!tpu.dma_semaphore, #tpu.memory_space<semaphore_mem>>) {add = true}
        %dma_wait3A_152 = arith.constant 0 : i32
        %dma_wait3A_153 = tpu.memref_slice %arg7[%mul3A_78, %dma_wait3A_152] : memref<80x128xi32, #tpu.memory_space<vmem>> -> memref<1x128xi32, #tpu.memory_space<vmem>>
        %dma_wait3A_154 = tpu.memref_squeeze %dma_wait3A_153 : memref<1x128xi32, #tpu.memory_space<vmem>> -> memref<128xi32, #tpu.memory_space<vmem>>
        %dma_wait3A_155 = arith.constant 0 : i32
        %dma_wait3A_156 = arith.constant 0 : i32
        %dma_wait3A_157 = tpu.memref_slice %arg16[%dma_wait3A_155, %dma_wait3A_156] : memref<10112x128xf32, #tpu.memory_space<vmem_shared>> -> memref<10112x128xf32, #tpu.memory_space<vmem_shared>>
        tpu.wait_indirect_dma semaphore(%run_scoped3A_145 : memref<!tpu.dma_semaphore, #tpu.memory_space<semaphore_mem>>) src(%arg10 : memref<128x128xf32, #tpu.memory_space<vmem>>) dst(%dma_wait3A_157 : memref<10112x128xf32, #tpu.memory_space<vmem_shared>>)
        tpu.yield
      }) : () -> ()
      %add3A_102 = arith.constant 2 : i32
      %add3A_103 = arith.addi %mul3A_78, %add3A_102 : i32
      %mul3A_104 = arith.constant 80 : i32
      %mul3A_105 = arith.muli %add3A, %mul3A_104 : i32
      %add3A_106 = arith.addi %mul3A_105, %add3A_103 : i32
      %dma_start3A_107 = arith.constant 0 : i32
      %dma_start3A_108 = tpu.memref_slice %arg3[%add3A_106, %dma_start3A_107] : memref<2560x128xi32, #tpu.memory_space<hbm>> -> memref<1x128xi32, #tpu.memory_space<hbm>>
      %dma_start3A_109 = arith.constant 0 : i32
      %dma_start3A_110 = tpu.memref_slice %arg3[%add3A_106, %dma_start3A_109] : memref<2560x128xi32, #tpu.memory_space<hbm>> -> memref<1x128xi32, #tpu.memory_space<hbm>>
      tpu.enqueue_dma source(%dma_start3A_110 : memref<1x128xi32, #tpu.memory_space<hbm>>) target(%arg8 : memref<1x128xi32, #tpu.memory_space<vmem>>) target_semaphore(%arg14 : memref<!tpu.dma_semaphore, #tpu.memory_space<semaphore_mem>>)
      %dma_wait3A_111 = arith.constant 0 : i32
      %dma_wait3A_112 = arith.constant 0 : i32
      %dma_wait3A_113 = tpu.memref_slice %arg9[%dma_wait3A_111, %dma_wait3A_112] : memref<1x128xi32, #tpu.memory_space<vmem>> -> memref<1x128xi32, #tpu.memory_space<vmem>>
      %dma_wait3A_114 = tpu.memref_squeeze %dma_wait3A_113 : memref<1x128xi32, #tpu.memory_space<vmem>> -> memref<128xi32, #tpu.memory_space<vmem>>
      %dma_wait3A_115 = arith.constant 0 : i32
      %dma_wait3A_116 = arith.constant 0 : i32
      %dma_wait3A_117 = tpu.memref_slice %arg2[%dma_wait3A_115, %dma_wait3A_116] : memref<10000x128xf32, #tpu.memory_space<hbm>> -> memref<10000x128xf32, #tpu.memory_space<hbm>>
      tpu.wait_indirect_dma semaphore(%arg13 : memref<!tpu.dma_semaphore, #tpu.memory_space<semaphore_mem>>) src(%dma_wait3A_117 : memref<10000x128xf32, #tpu.memory_space<hbm>>) dst(%arg11 : memref<128x128xf32, #tpu.memory_space<vmem>>)
      %add3A_118 = arith.constant 2 : i32
      %add3A_119 = arith.addi %mul3A_78, %add3A_118 : i32
      %mul3A_120 = arith.constant 80 : i32
      %mul3A_121 = arith.muli %add3A, %mul3A_120 : i32
      %add3A_122 = arith.addi %mul3A_121, %add3A_119 : i32
      %dma_wait3A_123 = arith.constant 0 : i32
      %dma_wait3A_124 = tpu.memref_slice %arg3[%add3A_122, %dma_wait3A_123] : memref<2560x128xi32, #tpu.memory_space<hbm>> -> memref<1x128xi32, #tpu.memory_space<hbm>>
      %dma_wait3A_125 = arith.constant 0 : i32
      %dma_wait3A_126 = tpu.memref_slice %arg3[%add3A_122, %dma_wait3A_125] : memref<2560x128xi32, #tpu.memory_space<hbm>> -> memref<1x128xi32, #tpu.memory_space<hbm>>
      tpu.wait_dma2 semaphore(%arg14 : memref<!tpu.dma_semaphore, #tpu.memory_space<semaphore_mem>>) src(%dma_wait3A_126 : memref<1x128xi32, #tpu.memory_space<hbm>>) dst(%arg8 : memref<1x128xi32, #tpu.memory_space<vmem>>)
      %dma_start3A_127 = arith.constant 0 : i32
      %dma_start3A_128 = arith.constant 0 : i32
      %dma_start3A_129 = tpu.memref_slice %arg8[%dma_start3A_127, %dma_start3A_128] : memref<1x128xi32, #tpu.memory_space<vmem>> -> memref<1x128xi32, #tpu.memory_space<vmem>>
      %dma_start3A_130 = tpu.memref_squeeze %dma_start3A_129 : memref<1x128xi32, #tpu.memory_space<vmem>> -> memref<128xi32, #tpu.memory_space<vmem>>
      %dma_start3A_131 = arith.constant 0 : i32
      %dma_start3A_132 = arith.constant 0 : i32
      %dma_start3A_133 = tpu.memref_slice %arg2[%dma_start3A_131, %dma_start3A_132] : memref<10000x128xf32, #tpu.memory_space<hbm>> -> memref<10000x128xf32, #tpu.memory_space<hbm>>
      tpu.enqueue_indirect_dma source(%dma_start3A_133 : memref<10000x128xf32, #tpu.memory_space<hbm>>) target(%arg10 : memref<128x128xf32, #tpu.memory_space<vmem>>) offsets(%dma_start3A_130 : memref<128xi32, #tpu.memory_space<vmem>>) semaphore(%arg12 : memref<!tpu.dma_semaphore, #tpu.memory_space<semaphore_mem>>)
      %add3A_134 = arith.constant 1 : i32
      %add3A_135 = arith.addi %mul3A_78, %add3A_134 : i32
      "tpu.region"() ({
        %run_scoped3A_145 = tpu.sem_alloc : memref<!tpu.dma_semaphore, #tpu.memory_space<semaphore_mem>>
        %dma_start3A_146 = arith.constant 0 : i32
        %dma_start3A_147 = tpu.memref_slice %arg7[%add3A_135, %dma_start3A_146] : memref<80x128xi32, #tpu.memory_space<vmem>> -> memref<1x128xi32, #tpu.memory_space<vmem>>
        %dma_start3A_148 = tpu.memref_squeeze %dma_start3A_147 : memref<1x128xi32, #tpu.memory_space<vmem>> -> memref<128xi32, #tpu.memory_space<vmem>>
        %dma_start3A_149 = arith.constant 0 : i32
        %dma_start3A_150 = arith.constant 0 : i32
        %dma_start3A_151 = tpu.memref_slice %arg16[%dma_start3A_149, %dma_start3A_150] : memref<10112x128xf32, #tpu.memory_space<vmem_shared>> -> memref<10112x128xf32, #tpu.memory_space<vmem_shared>>
        tpu.enqueue_indirect_dma source(%arg11 : memref<128x128xf32, #tpu.memory_space<vmem>>) target(%dma_start3A_151 : memref<10112x128xf32, #tpu.memory_space<vmem_shared>>) offsets(%dma_start3A_148 : memref<128xi32, #tpu.memory_space<vmem>>) semaphore(%run_scoped3A_145 : memref<!tpu.dma_semaphore, #tpu.memory_space<semaphore_mem>>) {add = true}
        %dma_wait3A_152 = arith.constant 0 : i32
        %dma_wait3A_153 = tpu.memref_slice %arg7[%add3A_135, %dma_wait3A_152] : memref<80x128xi32, #tpu.memory_space<vmem>> -> memref<1x128xi32, #tpu.memory_space<vmem>>
        %dma_wait3A_154 = tpu.memref_squeeze %dma_wait3A_153 : memref<1x128xi32, #tpu.memory_space<vmem>> -> memref<128xi32, #tpu.memory_space<vmem>>
        %dma_wait3A_155 = arith.constant 0 : i32
        %dma_wait3A_156 = arith.constant 0 : i32
        %dma_wait3A_157 = tpu.memref_slice %arg16[%dma_wait3A_155, %dma_wait3A_156] : memref<10112x128xf32, #tpu.memory_space<vmem_shared>> -> memref<10112x128xf32, #tpu.memory_space<vmem_shared>>
        tpu.wait_indirect_dma semaphore(%run_scoped3A_145 : memref<!tpu.dma_semaphore, #tpu.memory_space<semaphore_mem>>) src(%arg11 : memref<128x128xf32, #tpu.memory_space<vmem>>) dst(%dma_wait3A_157 : memref<10112x128xf32, #tpu.memory_space<vmem_shared>>)
        tpu.yield
      }) : () -> ()
      %add3A_136 = arith.constant 3 : i32
      %add3A_137 = arith.addi %mul3A_78, %add3A_136 : i32
      %mul3A_138 = arith.constant 80 : i32
      %mul3A_139 = arith.muli %add3A, %mul3A_138 : i32
      %add3A_140 = arith.addi %mul3A_139, %add3A_137 : i32
      %dma_start3A_141 = arith.constant 0 : i32
      %dma_start3A_142 = tpu.memref_slice %arg3[%add3A_140, %dma_start3A_141] : memref<2560x128xi32, #tpu.memory_space<hbm>> -> memref<1x128xi32, #tpu.memory_space<hbm>>
      %dma_start3A_143 = arith.constant 0 : i32
      %dma_start3A_144 = tpu.memref_slice %arg3[%add3A_140, %dma_start3A_143] : memref<2560x128xi32, #tpu.memory_space<hbm>> -> memref<1x128xi32, #tpu.memory_space<hbm>>
      tpu.enqueue_dma source(%dma_start3A_144 : memref<1x128xi32, #tpu.memory_space<hbm>>) target(%arg9 : memref<1x128xi32, #tpu.memory_space<vmem>>) target_semaphore(%arg15 : memref<!tpu.dma_semaphore, #tpu.memory_space<semaphore_mem>>)
    }
    %scan3A_40 = arith.constant 39 : i32
    %dma_wait3A_41 = arith.constant 0 : i32
    %dma_wait3A_42 = arith.constant 0 : i32
    %dma_wait3A_43 = tpu.memref_slice %arg8[%dma_wait3A_41, %dma_wait3A_42] : memref<1x128xi32, #tpu.memory_space<vmem>> -> memref<1x128xi32, #tpu.memory_space<vmem>>
    %dma_wait3A_44 = tpu.memref_squeeze %dma_wait3A_43 : memref<1x128xi32, #tpu.memory_space<vmem>> -> memref<128xi32, #tpu.memory_space<vmem>>
    %dma_wait3A_45 = arith.constant 0 : i32
    %dma_wait3A_46 = arith.constant 0 : i32
    %dma_wait3A_47 = tpu.memref_slice %arg2[%dma_wait3A_45, %dma_wait3A_46] : memref<10000x128xf32, #tpu.memory_space<hbm>> -> memref<10000x128xf32, #tpu.memory_space<hbm>>
    tpu.wait_indirect_dma semaphore(%arg12 : memref<!tpu.dma_semaphore, #tpu.memory_space<semaphore_mem>>) src(%dma_wait3A_47 : memref<10000x128xf32, #tpu.memory_space<hbm>>) dst(%arg10 : memref<128x128xf32, #tpu.memory_space<vmem>>)
    %mul3A_48 = arith.constant 80 : i32
    %mul3A_49 = arith.muli %add3A, %mul3A_48 : i32
    %add3A_50 = arith.constant 79 : i32
    %add3A_51 = arith.addi %mul3A_49, %add3A_50 : i32
    %dma_wait3A_52 = arith.constant 0 : i32
    %dma_wait3A_53 = tpu.memref_slice %arg3[%add3A_51, %dma_wait3A_52] : memref<2560x128xi32, #tpu.memory_space<hbm>> -> memref<1x128xi32, #tpu.memory_space<hbm>>
    %dma_wait3A_54 = arith.constant 0 : i32
    %dma_wait3A_55 = tpu.memref_slice %arg3[%add3A_51, %dma_wait3A_54] : memref<2560x128xi32, #tpu.memory_space<hbm>> -> memref<1x128xi32, #tpu.memory_space<hbm>>
    tpu.wait_dma2 semaphore(%arg15 : memref<!tpu.dma_semaphore, #tpu.memory_space<semaphore_mem>>) src(%dma_wait3A_55 : memref<1x128xi32, #tpu.memory_space<hbm>>) dst(%arg9 : memref<1x128xi32, #tpu.memory_space<vmem>>)
    %dma_start3A_56 = arith.constant 0 : i32
    %dma_start3A_57 = arith.constant 0 : i32
    %dma_start3A_58 = tpu.memref_slice %arg9[%dma_start3A_56, %dma_start3A_57] : memref<1x128xi32, #tpu.memory_space<vmem>> -> memref<1x128xi32, #tpu.memory_space<vmem>>
    %dma_start3A_59 = tpu.memref_squeeze %dma_start3A_58 : memref<1x128xi32, #tpu.memory_space<vmem>> -> memref<128xi32, #tpu.memory_space<vmem>>
    %dma_start3A_60 = arith.constant 0 : i32
    %dma_start3A_61 = arith.constant 0 : i32
    %dma_start3A_62 = tpu.memref_slice %arg2[%dma_start3A_60, %dma_start3A_61] : memref<10000x128xf32, #tpu.memory_space<hbm>> -> memref<10000x128xf32, #tpu.memory_space<hbm>>
    tpu.enqueue_indirect_dma source(%dma_start3A_62 : memref<10000x128xf32, #tpu.memory_space<hbm>>) target(%arg11 : memref<128x128xf32, #tpu.memory_space<vmem>>) offsets(%dma_start3A_59 : memref<128xi32, #tpu.memory_space<vmem>>) semaphore(%arg13 : memref<!tpu.dma_semaphore, #tpu.memory_space<semaphore_mem>>)
    %run_scoped3A = arith.constant 78 : i32
    "tpu.region"() ({
      %run_scoped3A_76 = tpu.sem_alloc : memref<!tpu.dma_semaphore, #tpu.memory_space<semaphore_mem>>
      %dma_start3A_77 = arith.constant 0 : i32
      %dma_start3A_78 = tpu.memref_slice %arg7[%run_scoped3A, %dma_start3A_77] : memref<80x128xi32, #tpu.memory_space<vmem>> -> memref<1x128xi32, #tpu.memory_space<vmem>>
      %dma_start3A_79 = tpu.memref_squeeze %dma_start3A_78 : memref<1x128xi32, #tpu.memory_space<vmem>> -> memref<128xi32, #tpu.memory_space<vmem>>
      %dma_start3A_80 = arith.constant 0 : i32
      %dma_start3A_81 = arith.constant 0 : i32
      %dma_start3A_82 = tpu.memref_slice %arg16[%dma_start3A_80, %dma_start3A_81] : memref<10112x128xf32, #tpu.memory_space<vmem_shared>> -> memref<10112x128xf32, #tpu.memory_space<vmem_shared>>
      tpu.enqueue_indirect_dma source(%arg10 : memref<128x128xf32, #tpu.memory_space<vmem>>) target(%dma_start3A_82 : memref<10112x128xf32, #tpu.memory_space<vmem_shared>>) offsets(%dma_start3A_79 : memref<128xi32, #tpu.memory_space<vmem>>) semaphore(%run_scoped3A_76 : memref<!tpu.dma_semaphore, #tpu.memory_space<semaphore_mem>>) {add = true}
      %dma_wait3A_83 = arith.constant 0 : i32
      %dma_wait3A_84 = tpu.memref_slice %arg7[%run_scoped3A, %dma_wait3A_83] : memref<80x128xi32, #tpu.memory_space<vmem>> -> memref<1x128xi32, #tpu.memory_space<vmem>>
      %dma_wait3A_85 = tpu.memref_squeeze %dma_wait3A_84 : memref<1x128xi32, #tpu.memory_space<vmem>> -> memref<128xi32, #tpu.memory_space<vmem>>
      %dma_wait3A_86 = arith.constant 0 : i32
      %dma_wait3A_87 = arith.constant 0 : i32
      %dma_wait3A_88 = tpu.memref_slice %arg16[%dma_wait3A_86, %dma_wait3A_87] : memref<10112x128xf32, #tpu.memory_space<vmem_shared>> -> memref<10112x128xf32, #tpu.memory_space<vmem_shared>>
      tpu.wait_indirect_dma semaphore(%run_scoped3A_76 : memref<!tpu.dma_semaphore, #tpu.memory_space<semaphore_mem>>) src(%arg10 : memref<128x128xf32, #tpu.memory_space<vmem>>) dst(%dma_wait3A_88 : memref<10112x128xf32, #tpu.memory_space<vmem_shared>>)
      tpu.yield
    }) : () -> ()
    %dma_wait3A_63 = arith.constant 0 : i32
    %dma_wait3A_64 = arith.constant 0 : i32
    %dma_wait3A_65 = tpu.memref_slice %arg9[%dma_wait3A_63, %dma_wait3A_64] : memref<1x128xi32, #tpu.memory_space<vmem>> -> memref<1x128xi32, #tpu.memory_space<vmem>>
    %dma_wait3A_66 = tpu.memref_squeeze %dma_wait3A_65 : memref<1x128xi32, #tpu.memory_space<vmem>> -> memref<128xi32, #tpu.memory_space<vmem>>
    %dma_wait3A_67 = arith.constant 0 : i32
    %dma_wait3A_68 = arith.constant 0 : i32
    %dma_wait3A_69 = tpu.memref_slice %arg2[%dma_wait3A_67, %dma_wait3A_68] : memref<10000x128xf32, #tpu.memory_space<hbm>> -> memref<10000x128xf32, #tpu.memory_space<hbm>>
    tpu.wait_indirect_dma semaphore(%arg13 : memref<!tpu.dma_semaphore, #tpu.memory_space<semaphore_mem>>) src(%dma_wait3A_69 : memref<10000x128xf32, #tpu.memory_space<hbm>>) dst(%arg11 : memref<128x128xf32, #tpu.memory_space<vmem>>)
    %run_scoped3A_70 = arith.constant 79 : i32
    "tpu.region"() ({
      %run_scoped3A_76 = tpu.sem_alloc : memref<!tpu.dma_semaphore, #tpu.memory_space<semaphore_mem>>
      %dma_start3A_77 = arith.constant 0 : i32
      %dma_start3A_78 = tpu.memref_slice %arg7[%run_scoped3A_70, %dma_start3A_77] : memref<80x128xi32, #tpu.memory_space<vmem>> -> memref<1x128xi32, #tpu.memory_space<vmem>>
      %dma_start3A_79 = tpu.memref_squeeze %dma_start3A_78 : memref<1x128xi32, #tpu.memory_space<vmem>> -> memref<128xi32, #tpu.memory_space<vmem>>
      %dma_start3A_80 = arith.constant 0 : i32
      %dma_start3A_81 = arith.constant 0 : i32
      %dma_start3A_82 = tpu.memref_slice %arg16[%dma_start3A_80, %dma_start3A_81] : memref<10112x128xf32, #tpu.memory_space<vmem_shared>> -> memref<10112x128xf32, #tpu.memory_space<vmem_shared>>
      tpu.enqueue_indirect_dma source(%arg11 : memref<128x128xf32, #tpu.memory_space<vmem>>) target(%dma_start3A_82 : memref<10112x128xf32, #tpu.memory_space<vmem_shared>>) offsets(%dma_start3A_79 : memref<128xi32, #tpu.memory_space<vmem>>) semaphore(%run_scoped3A_76 : memref<!tpu.dma_semaphore, #tpu.memory_space<semaphore_mem>>) {add = true}
      %dma_wait3A_83 = arith.constant 0 : i32
      %dma_wait3A_84 = tpu.memref_slice %arg7[%run_scoped3A_70, %dma_wait3A_83] : memref<80x128xi32, #tpu.memory_space<vmem>> -> memref<1x128xi32, #tpu.memory_space<vmem>>
      %dma_wait3A_85 = tpu.memref_squeeze %dma_wait3A_84 : memref<1x128xi32, #tpu.memory_space<vmem>> -> memref<128xi32, #tpu.memory_space<vmem>>
      %dma_wait3A_86 = arith.constant 0 : i32
      %dma_wait3A_87 = arith.constant 0 : i32
      %dma_wait3A_88 = tpu.memref_slice %arg16[%dma_wait3A_86, %dma_wait3A_87] : memref<10112x128xf32, #tpu.memory_space<vmem_shared>> -> memref<10112x128xf32, #tpu.memory_space<vmem_shared>>
      tpu.wait_indirect_dma semaphore(%run_scoped3A_76 : memref<!tpu.dma_semaphore, #tpu.memory_space<semaphore_mem>>) src(%arg11 : memref<128x128xf32, #tpu.memory_space<vmem>>) dst(%dma_wait3A_88 : memref<10112x128xf32, #tpu.memory_space<vmem_shared>>)
      tpu.yield
    }) : () -> ()
    %barrier3A_71 = arith.constant 0 : index
    tpu.barrier barrier_id(%barrier3A_71)
    %mul3A_72 = arith.constant 632 : i32
    %mul3A_73 = arith.muli %arg1, %mul3A_72 : i32
    %mul3A_74 = arith.constant 632 : i32
    %mul3A_75 = arith.muli %arg1, %mul3A_74 : i32
    "tpu.region"() ({
      %run_scoped3A_76 = tpu.sem_alloc : memref<!tpu.dma_semaphore, #tpu.memory_space<semaphore_mem>>
      %dma_start3A_77 = arith.constant 0 : i32
      %dma_start3A_78 = tpu.memref_slice %arg6[%arg0, %mul3A_75, %dma_start3A_77] : memref<2x10112x128xf32, #tpu.memory_space<hbm>> -> memref<1x632x128xf32, #tpu.memory_space<hbm>>
      %dma_start3A_79 = tpu.memref_squeeze %dma_start3A_78 : memref<1x632x128xf32, #tpu.memory_space<hbm>> -> memref<632x128xf32, #tpu.memory_space<hbm>>
      %dma_start3A_80 = arith.constant 0 : i32
      %dma_start3A_81 = tpu.memref_slice %arg16[%mul3A_73, %dma_start3A_80] : memref<10112x128xf32, #tpu.memory_space<vmem_shared>> -> memref<632x128xf32, #tpu.memory_space<vmem_shared>>
      tpu.enqueue_dma source(%dma_start3A_81 : memref<632x128xf32, #tpu.memory_space<vmem_shared>>) target(%dma_start3A_79 : memref<632x128xf32, #tpu.memory_space<hbm>>) target_semaphore(%run_scoped3A_76 : memref<!tpu.dma_semaphore, #tpu.memory_space<semaphore_mem>>)
      %dma_wait3A_82 = arith.constant 0 : i32
      %dma_wait3A_83 = tpu.memref_slice %arg6[%arg0, %mul3A_75, %dma_wait3A_82] : memref<2x10112x128xf32, #tpu.memory_space<hbm>> -> memref<1x632x128xf32, #tpu.memory_space<hbm>>
      %dma_wait3A_84 = tpu.memref_squeeze %dma_wait3A_83 : memref<1x632x128xf32, #tpu.memory_space<hbm>> -> memref<632x128xf32, #tpu.memory_space<hbm>>
      %dma_wait3A_85 = arith.constant 0 : i32
      %dma_wait3A_86 = tpu.memref_slice %arg16[%mul3A_73, %dma_wait3A_85] : memref<10112x128xf32, #tpu.memory_space<vmem_shared>> -> memref<632x128xf32, #tpu.memory_space<vmem_shared>>
      tpu.wait_dma2 semaphore(%run_scoped3A_76 : memref<!tpu.dma_semaphore, #tpu.memory_space<semaphore_mem>>) src(%dma_wait3A_86 : memref<632x128xf32, #tpu.memory_space<vmem_shared>>) dst(%dma_wait3A_84 : memref<632x128xf32, #tpu.memory_space<hbm>>)
      tpu.yield
    }) : () -> ()
    return
  }
}

#map = affine_map<(d0, d1) -> (0, 0)>
#map1 = affine_map<(d0, d1) -> (0, 0, 0)>
module attributes {stable_mosaic.version = 14 : i64} {
  func.func @_seg_kernel(%arg0: i32, %arg1: i32, %arg2: memref<10000x128xf32, #tpu.memory_space<hbm>>, %arg3: memref<2560x128xi32, #tpu.memory_space<hbm>>, %arg4: memref<2560x128xi32, #tpu.memory_space<hbm>>, %arg5: memref<10112x128xf32, #tpu.memory_space<hbm>>, %arg6: memref<2x10112x128xf32, #tpu.memory_space<hbm>>, %arg7: memref<80x128xi32, #tpu.memory_space<vmem>>, %arg8: memref<1x128xi32, #tpu.memory_space<vmem>>, %arg9: memref<1x128xi32, #tpu.memory_space<vmem>>, %arg10: memref<128x128xf32, #tpu.memory_space<vmem>>, %arg11: memref<128x128xf32, #tpu.memory_space<vmem>>, %arg12: memref<!tpu.dma_semaphore, #tpu.memory_space<semaphore_mem>>, %arg13: memref<!tpu.dma_semaphore, #tpu.memory_space<semaphore_mem>>, %arg14: memref<!tpu.dma_semaphore, #tpu.memory_space<semaphore_mem>>, %arg15: memref<!tpu.dma_semaphore, #tpu.memory_space<semaphore_mem>>, %arg16: memref<10112x128xf32, #tpu.memory_space<vmem_shared>>) attributes {dimension_semantics = [#tpu.dimension_semantics<core_parallel>, #tpu.dimension_semantics<subcore_parallel>], iteration_bounds = array<i64: 2, 16>, scalar_prefetch = 0 : i64, scratch_operands = 10 : i64, tpu.core_type = #tpu.core_type<sc_vector_subcore>, window_params = [{transform_indices = #map}, {transform_indices = #map}, {transform_indices = #map}, {transform_indices = #map}, {transform_indices = #map1}]} {
    %mul3A = arith.constant 632 : i32
    %mul3A_0 = arith.muli %arg1, %mul3A : i32
    %mul3A_1 = arith.constant 632 : i32
    %mul3A_2 = arith.muli %arg1, %mul3A_1 : i32
    "tpu.region"() ({
      %run_scoped3A_76 = tpu.sem_alloc : memref<!tpu.dma_semaphore, #tpu.memory_space<semaphore_mem>>
      %dma_start3A_77 = arith.constant 0 : i32
      %dma_start3A_78 = tpu.memref_slice %arg16[%mul3A_2, %dma_start3A_77] : memref<10112x128xf32, #tpu.memory_space<vmem_shared>> -> memref<632x128xf32, #tpu.memory_space<vmem_shared>>
      %dma_start3A_79 = arith.constant 0 : i32
      %dma_start3A_80 = tpu.memref_slice %arg5[%mul3A_0, %dma_start3A_79] : memref<10112x128xf32, #tpu.memory_space<hbm>> -> memref<632x128xf32, #tpu.memory_space<hbm>>
      tpu.enqueue_dma source(%dma_start3A_80 : memref<632x128xf32, #tpu.memory_space<hbm>>) target(%dma_start3A_78 : memref<632x128xf32, #tpu.memory_space<vmem_shared>>) target_semaphore(%run_scoped3A_76 : memref<!tpu.dma_semaphore, #tpu.memory_space<semaphore_mem>>)
      %dma_wait3A_81 = arith.constant 0 : i32
      %dma_wait3A_82 = tpu.memref_slice %arg16[%mul3A_2, %dma_wait3A_81] : memref<10112x128xf32, #tpu.memory_space<vmem_shared>> -> memref<632x128xf32, #tpu.memory_space<vmem_shared>>
      %dma_wait3A_83 = arith.constant 0 : i32
      %dma_wait3A_84 = tpu.memref_slice %arg5[%mul3A_0, %dma_wait3A_83] : memref<10112x128xf32, #tpu.memory_space<hbm>> -> memref<632x128xf32, #tpu.memory_space<hbm>>
      tpu.wait_dma2 semaphore(%run_scoped3A_76 : memref<!tpu.dma_semaphore, #tpu.memory_space<semaphore_mem>>) src(%dma_wait3A_84 : memref<632x128xf32, #tpu.memory_space<hbm>>) dst(%dma_wait3A_82 : memref<632x128xf32, #tpu.memory_space<vmem_shared>>)
      tpu.yield
    }) : () -> ()
    %mul3A_3 = arith.constant 16 : i32
    %mul3A_4 = arith.muli %arg0, %mul3A_3 : i32
    %add3A = arith.addi %mul3A_4, %arg1 : i32
    %mul3A_5 = arith.constant 80 : i32
    %mul3A_6 = arith.muli %add3A, %mul3A_5 : i32
    "tpu.region"() ({
      %run_scoped3A_76 = tpu.sem_alloc : memref<!tpu.dma_semaphore, #tpu.memory_space<semaphore_mem>>
      %dma_start3A_77 = arith.constant 0 : i32
      %dma_start3A_78 = tpu.memref_slice %arg4[%mul3A_6, %dma_start3A_77] : memref<2560x128xi32, #tpu.memory_space<hbm>> -> memref<80x128xi32, #tpu.memory_space<hbm>>
      %dma_start3A_79 = arith.constant 0 : i32
      %dma_start3A_80 = tpu.memref_slice %arg4[%mul3A_6, %dma_start3A_79] : memref<2560x128xi32, #tpu.memory_space<hbm>> -> memref<80x128xi32, #tpu.memory_space<hbm>>
      tpu.enqueue_dma source(%dma_start3A_80 : memref<80x128xi32, #tpu.memory_space<hbm>>) target(%arg7 : memref<80x128xi32, #tpu.memory_space<vmem>>) target_semaphore(%run_scoped3A_76 : memref<!tpu.dma_semaphore, #tpu.memory_space<semaphore_mem>>)
      %dma_wait3A_81 = arith.constant 0 : i32
      %dma_wait3A_82 = tpu.memref_slice %arg4[%mul3A_6, %dma_wait3A_81] : memref<2560x128xi32, #tpu.memory_space<hbm>> -> memref<80x128xi32, #tpu.memory_space<hbm>>
      %dma_wait3A_83 = arith.constant 0 : i32
      %dma_wait3A_84 = tpu.memref_slice %arg4[%mul3A_6, %dma_wait3A_83] : memref<2560x128xi32, #tpu.memory_space<hbm>> -> memref<80x128xi32, #tpu.memory_space<hbm>>
      tpu.wait_dma2 semaphore(%run_scoped3A_76 : memref<!tpu.dma_semaphore, #tpu.memory_space<semaphore_mem>>) src(%dma_wait3A_84 : memref<80x128xi32, #tpu.memory_space<hbm>>) dst(%arg7 : memref<80x128xi32, #tpu.memory_space<vmem>>)
      tpu.yield
    }) : () -> ()
    %barrier3A = arith.constant 0 : index
    tpu.barrier barrier_id(%barrier3A)
    %mul3A_7 = arith.constant 80 : i32
    %mul3A_8 = arith.muli %add3A, %mul3A_7 : i32
    %add3A_9 = arith.constant 0 : i32
    %add3A_10 = arith.addi %mul3A_8, %add3A_9 : i32
    %dma_start3A = arith.constant 0 : i32
    %dma_start3A_11 = tpu.memref_slice %arg3[%add3A_10, %dma_start3A] : memref<2560x128xi32, #tpu.memory_space<hbm>> -> memref<1x128xi32, #tpu.memory_space<hbm>>
    %dma_start3A_12 = arith.constant 0 : i32
    %dma_start3A_13 = tpu.memref_slice %arg3[%add3A_10, %dma_start3A_12] : memref<2560x128xi32, #tpu.memory_space<hbm>> -> memref<1x128xi32, #tpu.memory_space<hbm>>
    tpu.enqueue_dma source(%dma_start3A_13 : memref<1x128xi32, #tpu.memory_space<hbm>>) target(%arg8 : memref<1x128xi32, #tpu.memory_space<vmem>>) target_semaphore(%arg14 : memref<!tpu.dma_semaphore, #tpu.memory_space<semaphore_mem>>)
    %mul3A_14 = arith.constant 80 : i32
    %mul3A_15 = arith.muli %add3A, %mul3A_14 : i32
    %add3A_16 = arith.constant 1 : i32
    %add3A_17 = arith.addi %mul3A_15, %add3A_16 : i32
    %dma_start3A_18 = arith.constant 0 : i32
    %dma_start3A_19 = tpu.memref_slice %arg3[%add3A_17, %dma_start3A_18] : memref<2560x128xi32, #tpu.memory_space<hbm>> -> memref<1x128xi32, #tpu.memory_space<hbm>>
    %dma_start3A_20 = arith.constant 0 : i32
    %dma_start3A_21 = tpu.memref_slice %arg3[%add3A_17, %dma_start3A_20] : memref<2560x128xi32, #tpu.memory_space<hbm>> -> memref<1x128xi32, #tpu.memory_space<hbm>>
    tpu.enqueue_dma source(%dma_start3A_21 : memref<1x128xi32, #tpu.memory_space<hbm>>) target(%arg9 : memref<1x128xi32, #tpu.memory_space<vmem>>) target_semaphore(%arg15 : memref<!tpu.dma_semaphore, #tpu.memory_space<semaphore_mem>>)
    %mul3A_22 = arith.constant 80 : i32
    %mul3A_23 = arith.muli %add3A, %mul3A_22 : i32
    %add3A_24 = arith.constant 0 : i32
    %add3A_25 = arith.addi %mul3A_23, %add3A_24 : i32
    %dma_wait3A = arith.constant 0 : i32
    %dma_wait3A_26 = tpu.memref_slice %arg3[%add3A_25, %dma_wait3A] : memref<2560x128xi32, #tpu.memory_space<hbm>> -> memref<1x128xi32, #tpu.memory_space<hbm>>
    %dma_wait3A_27 = arith.constant 0 : i32
    %dma_wait3A_28 = tpu.memref_slice %arg3[%add3A_25, %dma_wait3A_27] : memref<2560x128xi32, #tpu.memory_space<hbm>> -> memref<1x128xi32, #tpu.memory_space<hbm>>
    tpu.wait_dma2 semaphore(%arg14 : memref<!tpu.dma_semaphore, #tpu.memory_space<semaphore_mem>>) src(%dma_wait3A_28 : memref<1x128xi32, #tpu.memory_space<hbm>>) dst(%arg8 : memref<1x128xi32, #tpu.memory_space<vmem>>)
    %dma_start3A_29 = arith.constant 0 : i32
    %dma_start3A_30 = arith.constant 0 : i32
    %dma_start3A_31 = tpu.memref_slice %arg8[%dma_start3A_29, %dma_start3A_30] : memref<1x128xi32, #tpu.memory_space<vmem>> -> memref<1x128xi32, #tpu.memory_space<vmem>>
    %dma_start3A_32 = tpu.memref_squeeze %dma_start3A_31 : memref<1x128xi32, #tpu.memory_space<vmem>> -> memref<128xi32, #tpu.memory_space<vmem>>
    %dma_start3A_33 = arith.constant 0 : i32
    %dma_start3A_34 = arith.constant 0 : i32
    %dma_start3A_35 = tpu.memref_slice %arg2[%dma_start3A_33, %dma_start3A_34] : memref<10000x128xf32, #tpu.memory_space<hbm>> -> memref<10000x128xf32, #tpu.memory_space<hbm>>
    tpu.enqueue_indirect_dma source(%dma_start3A_35 : memref<10000x128xf32, #tpu.memory_space<hbm>>) target(%arg10 : memref<128x128xf32, #tpu.memory_space<vmem>>) offsets(%dma_start3A_32 : memref<128xi32, #tpu.memory_space<vmem>>) semaphore(%arg12 : memref<!tpu.dma_semaphore, #tpu.memory_space<semaphore_mem>>)
    %scan3A = arith.constant 0 : i32
    %scan3A_36 = arith.constant 0 : i32
    %scan3A_37 = arith.constant 39 : i32
    %scan3A_38 = arith.addi %scan3A_36, %scan3A_37 : i32
    %scan3A_39 = arith.constant 1 : i32
    scf.for %scan3A_76 = %scan3A_36 to %scan3A_38 step %scan3A_39  : i32 {
      %mul3A_77 = arith.constant 2 : i32
      %mul3A_78 = arith.muli %mul3A_77, %scan3A_76 : i32
      %dma_wait3A_79 = arith.constant 0 : i32
      %dma_wait3A_80 = arith.constant 0 : i32
      %dma_wait3A_81 = tpu.memref_slice %arg8[%dma_wait3A_79, %dma_wait3A_80] : memref<1x128xi32, #tpu.memory_space<vmem>> -> memref<1x128xi32, #tpu.memory_space<vmem>>
      %dma_wait3A_82 = tpu.memref_squeeze %dma_wait3A_81 : memref<1x128xi32, #tpu.memory_space<vmem>> -> memref<128xi32, #tpu.memory_space<vmem>>
      %dma_wait3A_83 = arith.constant 0 : i32
      %dma_wait3A_84 = arith.constant 0 : i32
      %dma_wait3A_85 = tpu.memref_slice %arg2[%dma_wait3A_83, %dma_wait3A_84] : memref<10000x128xf32, #tpu.memory_space<hbm>> -> memref<10000x128xf32, #tpu.memory_space<hbm>>
      tpu.wait_indirect_dma semaphore(%arg12 : memref<!tpu.dma_semaphore, #tpu.memory_space<semaphore_mem>>) src(%dma_wait3A_85 : memref<10000x128xf32, #tpu.memory_space<hbm>>) dst(%arg10 : memref<128x128xf32, #tpu.memory_space<vmem>>)
      %add3A_86 = arith.constant 1 : i32
      %add3A_87 = arith.addi %mul3A_78, %add3A_86 : i32
      %mul3A_88 = arith.constant 80 : i32
      %mul3A_89 = arith.muli %add3A, %mul3A_88 : i32
      %add3A_90 = arith.addi %mul3A_89, %add3A_87 : i32
      %dma_wait3A_91 = arith.constant 0 : i32
      %dma_wait3A_92 = tpu.memref_slice %arg3[%add3A_90, %dma_wait3A_91] : memref<2560x128xi32, #tpu.memory_space<hbm>> -> memref<1x128xi32, #tpu.memory_space<hbm>>
      %dma_wait3A_93 = arith.constant 0 : i32
      %dma_wait3A_94 = tpu.memref_slice %arg3[%add3A_90, %dma_wait3A_93] : memref<2560x128xi32, #tpu.memory_space<hbm>> -> memref<1x128xi32, #tpu.memory_space<hbm>>
      tpu.wait_dma2 semaphore(%arg15 : memref<!tpu.dma_semaphore, #tpu.memory_space<semaphore_mem>>) src(%dma_wait3A_94 : memref<1x128xi32, #tpu.memory_space<hbm>>) dst(%arg9 : memref<1x128xi32, #tpu.memory_space<vmem>>)
      %dma_start3A_95 = arith.constant 0 : i32
      %dma_start3A_96 = arith.constant 0 : i32
      %dma_start3A_97 = tpu.memref_slice %arg9[%dma_start3A_95, %dma_start3A_96] : memref<1x128xi32, #tpu.memory_space<vmem>> -> memref<1x128xi32, #tpu.memory_space<vmem>>
      %dma_start3A_98 = tpu.memref_squeeze %dma_start3A_97 : memref<1x128xi32, #tpu.memory_space<vmem>> -> memref<128xi32, #tpu.memory_space<vmem>>
      %dma_start3A_99 = arith.constant 0 : i32
      %dma_start3A_100 = arith.constant 0 : i32
      %dma_start3A_101 = tpu.memref_slice %arg2[%dma_start3A_99, %dma_start3A_100] : memref<10000x128xf32, #tpu.memory_space<hbm>> -> memref<10000x128xf32, #tpu.memory_space<hbm>>
      tpu.enqueue_indirect_dma source(%dma_start3A_101 : memref<10000x128xf32, #tpu.memory_space<hbm>>) target(%arg11 : memref<128x128xf32, #tpu.memory_space<vmem>>) offsets(%dma_start3A_98 : memref<128xi32, #tpu.memory_space<vmem>>) semaphore(%arg13 : memref<!tpu.dma_semaphore, #tpu.memory_space<semaphore_mem>>)
      "tpu.region"() ({
        %run_scoped3A_145 = tpu.sem_alloc : memref<!tpu.dma_semaphore, #tpu.memory_space<semaphore_mem>>
        %dma_start3A_146 = arith.constant 0 : i32
        %dma_start3A_147 = tpu.memref_slice %arg7[%mul3A_78, %dma_start3A_146] : memref<80x128xi32, #tpu.memory_space<vmem>> -> memref<1x128xi32, #tpu.memory_space<vmem>>
        %dma_start3A_148 = tpu.memref_squeeze %dma_start3A_147 : memref<1x128xi32, #tpu.memory_space<vmem>> -> memref<128xi32, #tpu.memory_space<vmem>>
        %dma_start3A_149 = arith.constant 0 : i32
        %dma_start3A_150 = arith.constant 0 : i32
        %dma_start3A_151 = tpu.memref_slice %arg16[%dma_start3A_149, %dma_start3A_150] : memref<10112x128xf32, #tpu.memory_space<vmem_shared>> -> memref<10112x128xf32, #tpu.memory_space<vmem_shared>>
        tpu.enqueue_indirect_dma source(%arg10 : memref<128x128xf32, #tpu.memory_space<vmem>>) target(%dma_start3A_151 : memref<10112x128xf32, #tpu.memory_space<vmem_shared>>) offsets(%dma_start3A_148 : memref<128xi32, #tpu.memory_space<vmem>>) semaphore(%run_scoped3A_145 : memref<!tpu.dma_semaphore, #tpu.memory_space<semaphore_mem>>) {add = true}
        %dma_wait3A_152 = arith.constant 0 : i32
        %dma_wait3A_153 = tpu.memref_slice %arg7[%mul3A_78, %dma_wait3A_152] : memref<80x128xi32, #tpu.memory_space<vmem>> -> memref<1x128xi32, #tpu.memory_space<vmem>>
        %dma_wait3A_154 = tpu.memref_squeeze %dma_wait3A_153 : memref<1x128xi32, #tpu.memory_space<vmem>> -> memref<128xi32, #tpu.memory_space<vmem>>
        %dma_wait3A_155 = arith.constant 0 : i32
        %dma_wait3A_156 = arith.constant 0 : i32
        %dma_wait3A_157 = tpu.memref_slice %arg16[%dma_wait3A_155, %dma_wait3A_156] : memref<10112x128xf32, #tpu.memory_space<vmem_shared>> -> memref<10112x128xf32, #tpu.memory_space<vmem_shared>>
        tpu.wait_indirect_dma semaphore(%run_scoped3A_145 : memref<!tpu.dma_semaphore, #tpu.memory_space<semaphore_mem>>) src(%arg10 : memref<128x128xf32, #tpu.memory_space<vmem>>) dst(%dma_wait3A_157 : memref<10112x128xf32, #tpu.memory_space<vmem_shared>>)
        tpu.yield
      }) : () -> ()
      %add3A_102 = arith.constant 2 : i32
      %add3A_103 = arith.addi %mul3A_78, %add3A_102 : i32
      %mul3A_104 = arith.constant 80 : i32
      %mul3A_105 = arith.muli %add3A, %mul3A_104 : i32
      %add3A_106 = arith.addi %mul3A_105, %add3A_103 : i32
      %dma_start3A_107 = arith.constant 0 : i32
      %dma_start3A_108 = tpu.memref_slice %arg3[%add3A_106, %dma_start3A_107] : memref<2560x128xi32, #tpu.memory_space<hbm>> -> memref<1x128xi32, #tpu.memory_space<hbm>>
      %dma_start3A_109 = arith.constant 0 : i32
      %dma_start3A_110 = tpu.memref_slice %arg3[%add3A_106, %dma_start3A_109] : memref<2560x128xi32, #tpu.memory_space<hbm>> -> memref<1x128xi32, #tpu.memory_space<hbm>>
      tpu.enqueue_dma source(%dma_start3A_110 : memref<1x128xi32, #tpu.memory_space<hbm>>) target(%arg8 : memref<1x128xi32, #tpu.memory_space<vmem>>) target_semaphore(%arg14 : memref<!tpu.dma_semaphore, #tpu.memory_space<semaphore_mem>>)
      %dma_wait3A_111 = arith.constant 0 : i32
      %dma_wait3A_112 = arith.constant 0 : i32
      %dma_wait3A_113 = tpu.memref_slice %arg9[%dma_wait3A_111, %dma_wait3A_112] : memref<1x128xi32, #tpu.memory_space<vmem>> -> memref<1x128xi32, #tpu.memory_space<vmem>>
      %dma_wait3A_114 = tpu.memref_squeeze %dma_wait3A_113 : memref<1x128xi32, #tpu.memory_space<vmem>> -> memref<128xi32, #tpu.memory_space<vmem>>
      %dma_wait3A_115 = arith.constant 0 : i32
      %dma_wait3A_116 = arith.constant 0 : i32
      %dma_wait3A_117 = tpu.memref_slice %arg2[%dma_wait3A_115, %dma_wait3A_116] : memref<10000x128xf32, #tpu.memory_space<hbm>> -> memref<10000x128xf32, #tpu.memory_space<hbm>>
      tpu.wait_indirect_dma semaphore(%arg13 : memref<!tpu.dma_semaphore, #tpu.memory_space<semaphore_mem>>) src(%dma_wait3A_117 : memref<10000x128xf32, #tpu.memory_space<hbm>>) dst(%arg11 : memref<128x128xf32, #tpu.memory_space<vmem>>)
      %add3A_118 = arith.constant 2 : i32
      %add3A_119 = arith.addi %mul3A_78, %add3A_118 : i32
      %mul3A_120 = arith.constant 80 : i32
      %mul3A_121 = arith.muli %add3A, %mul3A_120 : i32
      %add3A_122 = arith.addi %mul3A_121, %add3A_119 : i32
      %dma_wait3A_123 = arith.constant 0 : i32
      %dma_wait3A_124 = tpu.memref_slice %arg3[%add3A_122, %dma_wait3A_123] : memref<2560x128xi32, #tpu.memory_space<hbm>> -> memref<1x128xi32, #tpu.memory_space<hbm>>
      %dma_wait3A_125 = arith.constant 0 : i32
      %dma_wait3A_126 = tpu.memref_slice %arg3[%add3A_122, %dma_wait3A_125] : memref<2560x128xi32, #tpu.memory_space<hbm>> -> memref<1x128xi32, #tpu.memory_space<hbm>>
      tpu.wait_dma2 semaphore(%arg14 : memref<!tpu.dma_semaphore, #tpu.memory_space<semaphore_mem>>) src(%dma_wait3A_126 : memref<1x128xi32, #tpu.memory_space<hbm>>) dst(%arg8 : memref<1x128xi32, #tpu.memory_space<vmem>>)
      %dma_start3A_127 = arith.constant 0 : i32
      %dma_start3A_128 = arith.constant 0 : i32
      %dma_start3A_129 = tpu.memref_slice %arg8[%dma_start3A_127, %dma_start3A_128] : memref<1x128xi32, #tpu.memory_space<vmem>> -> memref<1x128xi32, #tpu.memory_space<vmem>>
      %dma_start3A_130 = tpu.memref_squeeze %dma_start3A_129 : memref<1x128xi32, #tpu.memory_space<vmem>> -> memref<128xi32, #tpu.memory_space<vmem>>
      %dma_start3A_131 = arith.constant 0 : i32
      %dma_start3A_132 = arith.constant 0 : i32
      %dma_start3A_133 = tpu.memref_slice %arg2[%dma_start3A_131, %dma_start3A_132] : memref<10000x128xf32, #tpu.memory_space<hbm>> -> memref<10000x128xf32, #tpu.memory_space<hbm>>
      tpu.enqueue_indirect_dma source(%dma_start3A_133 : memref<10000x128xf32, #tpu.memory_space<hbm>>) target(%arg10 : memref<128x128xf32, #tpu.memory_space<vmem>>) offsets(%dma_start3A_130 : memref<128xi32, #tpu.memory_space<vmem>>) semaphore(%arg12 : memref<!tpu.dma_semaphore, #tpu.memory_space<semaphore_mem>>)
      %add3A_134 = arith.constant 1 : i32
      %add3A_135 = arith.addi %mul3A_78, %add3A_134 : i32
      "tpu.region"() ({
        %run_scoped3A_145 = tpu.sem_alloc : memref<!tpu.dma_semaphore, #tpu.memory_space<semaphore_mem>>
        %dma_start3A_146 = arith.constant 0 : i32
        %dma_start3A_147 = tpu.memref_slice %arg7[%add3A_135, %dma_start3A_146] : memref<80x128xi32, #tpu.memory_space<vmem>> -> memref<1x128xi32, #tpu.memory_space<vmem>>
        %dma_start3A_148 = tpu.memref_squeeze %dma_start3A_147 : memref<1x128xi32, #tpu.memory_space<vmem>> -> memref<128xi32, #tpu.memory_space<vmem>>
        %dma_start3A_149 = arith.constant 0 : i32
        %dma_start3A_150 = arith.constant 0 : i32
        %dma_start3A_151 = tpu.memref_slice %arg16[%dma_start3A_149, %dma_start3A_150] : memref<10112x128xf32, #tpu.memory_space<vmem_shared>> -> memref<10112x128xf32, #tpu.memory_space<vmem_shared>>
        tpu.enqueue_indirect_dma source(%arg11 : memref<128x128xf32, #tpu.memory_space<vmem>>) target(%dma_start3A_151 : memref<10112x128xf32, #tpu.memory_space<vmem_shared>>) offsets(%dma_start3A_148 : memref<128xi32, #tpu.memory_space<vmem>>) semaphore(%run_scoped3A_145 : memref<!tpu.dma_semaphore, #tpu.memory_space<semaphore_mem>>) {add = true}
        %dma_wait3A_152 = arith.constant 0 : i32
        %dma_wait3A_153 = tpu.memref_slice %arg7[%add3A_135, %dma_wait3A_152] : memref<80x128xi32, #tpu.memory_space<vmem>> -> memref<1x128xi32, #tpu.memory_space<vmem>>
        %dma_wait3A_154 = tpu.memref_squeeze %dma_wait3A_153 : memref<1x128xi32, #tpu.memory_space<vmem>> -> memref<128xi32, #tpu.memory_space<vmem>>
        %dma_wait3A_155 = arith.constant 0 : i32
        %dma_wait3A_156 = arith.constant 0 : i32
        %dma_wait3A_157 = tpu.memref_slice %arg16[%dma_wait3A_155, %dma_wait3A_156] : memref<10112x128xf32, #tpu.memory_space<vmem_shared>> -> memref<10112x128xf32, #tpu.memory_space<vmem_shared>>
        tpu.wait_indirect_dma semaphore(%run_scoped3A_145 : memref<!tpu.dma_semaphore, #tpu.memory_space<semaphore_mem>>) src(%arg11 : memref<128x128xf32, #tpu.memory_space<vmem>>) dst(%dma_wait3A_157 : memref<10112x128xf32, #tpu.memory_space<vmem_shared>>)
        tpu.yield
      }) : () -> ()
      %add3A_136 = arith.constant 3 : i32
      %add3A_137 = arith.addi %mul3A_78, %add3A_136 : i32
      %mul3A_138 = arith.constant 80 : i32
      %mul3A_139 = arith.muli %add3A, %mul3A_138 : i32
      %add3A_140 = arith.addi %mul3A_139, %add3A_137 : i32
      %dma_start3A_141 = arith.constant 0 : i32
      %dma_start3A_142 = tpu.memref_slice %arg3[%add3A_140, %dma_start3A_141] : memref<2560x128xi32, #tpu.memory_space<hbm>> -> memref<1x128xi32, #tpu.memory_space<hbm>>
      %dma_start3A_143 = arith.constant 0 : i32
      %dma_start3A_144 = tpu.memref_slice %arg3[%add3A_140, %dma_start3A_143] : memref<2560x128xi32, #tpu.memory_space<hbm>> -> memref<1x128xi32, #tpu.memory_space<hbm>>
      tpu.enqueue_dma source(%dma_start3A_144 : memref<1x128xi32, #tpu.memory_space<hbm>>) target(%arg9 : memref<1x128xi32, #tpu.memory_space<vmem>>) target_semaphore(%arg15 : memref<!tpu.dma_semaphore, #tpu.memory_space<semaphore_mem>>)
    }
    %scan3A_40 = arith.constant 39 : i32
    %dma_wait3A_41 = arith.constant 0 : i32
    %dma_wait3A_42 = arith.constant 0 : i32
    %dma_wait3A_43 = tpu.memref_slice %arg8[%dma_wait3A_41, %dma_wait3A_42] : memref<1x128xi32, #tpu.memory_space<vmem>> -> memref<1x128xi32, #tpu.memory_space<vmem>>
    %dma_wait3A_44 = tpu.memref_squeeze %dma_wait3A_43 : memref<1x128xi32, #tpu.memory_space<vmem>> -> memref<128xi32, #tpu.memory_space<vmem>>
    %dma_wait3A_45 = arith.constant 0 : i32
    %dma_wait3A_46 = arith.constant 0 : i32
    %dma_wait3A_47 = tpu.memref_slice %arg2[%dma_wait3A_45, %dma_wait3A_46] : memref<10000x128xf32, #tpu.memory_space<hbm>> -> memref<10000x128xf32, #tpu.memory_space<hbm>>
    tpu.wait_indirect_dma semaphore(%arg12 : memref<!tpu.dma_semaphore, #tpu.memory_space<semaphore_mem>>) src(%dma_wait3A_47 : memref<10000x128xf32, #tpu.memory_space<hbm>>) dst(%arg10 : memref<128x128xf32, #tpu.memory_space<vmem>>)
    %mul3A_48 = arith.constant 80 : i32
    %mul3A_49 = arith.muli %add3A, %mul3A_48 : i32
    %add3A_50 = arith.constant 79 : i32
    %add3A_51 = arith.addi %mul3A_49, %add3A_50 : i32
    %dma_wait3A_52 = arith.constant 0 : i32
    %dma_wait3A_53 = tpu.memref_slice %arg3[%add3A_51, %dma_wait3A_52] : memref<2560x128xi32, #tpu.memory_space<hbm>> -> memref<1x128xi32, #tpu.memory_space<hbm>>
    %dma_wait3A_54 = arith.constant 0 : i32
    %dma_wait3A_55 = tpu.memref_slice %arg3[%add3A_51, %dma_wait3A_54] : memref<2560x128xi32, #tpu.memory_space<hbm>> -> memref<1x128xi32, #tpu.memory_space<hbm>>
    tpu.wait_dma2 semaphore(%arg15 : memref<!tpu.dma_semaphore, #tpu.memory_space<semaphore_mem>>) src(%dma_wait3A_55 : memref<1x128xi32, #tpu.memory_space<hbm>>) dst(%arg9 : memref<1x128xi32, #tpu.memory_space<vmem>>)
    %dma_start3A_56 = arith.constant 0 : i32
    %dma_start3A_57 = arith.constant 0 : i32
    %dma_start3A_58 = tpu.memref_slice %arg9[%dma_start3A_56, %dma_start3A_57] : memref<1x128xi32, #tpu.memory_space<vmem>> -> memref<1x128xi32, #tpu.memory_space<vmem>>
    %dma_start3A_59 = tpu.memref_squeeze %dma_start3A_58 : memref<1x128xi32, #tpu.memory_space<vmem>> -> memref<128xi32, #tpu.memory_space<vmem>>
    %dma_start3A_60 = arith.constant 0 : i32
    %dma_start3A_61 = arith.constant 0 : i32
    %dma_start3A_62 = tpu.memref_slice %arg2[%dma_start3A_60, %dma_start3A_61] : memref<10000x128xf32, #tpu.memory_space<hbm>> -> memref<10000x128xf32, #tpu.memory_space<hbm>>
    tpu.enqueue_indirect_dma source(%dma_start3A_62 : memref<10000x128xf32, #tpu.memory_space<hbm>>) target(%arg11 : memref<128x128xf32, #tpu.memory_space<vmem>>) offsets(%dma_start3A_59 : memref<128xi32, #tpu.memory_space<vmem>>) semaphore(%arg13 : memref<!tpu.dma_semaphore, #tpu.memory_space<semaphore_mem>>)
    %run_scoped3A = arith.constant 78 : i32
    "tpu.region"() ({
      %run_scoped3A_76 = tpu.sem_alloc : memref<!tpu.dma_semaphore, #tpu.memory_space<semaphore_mem>>
      %dma_start3A_77 = arith.constant 0 : i32
      %dma_start3A_78 = tpu.memref_slice %arg7[%run_scoped3A, %dma_start3A_77] : memref<80x128xi32, #tpu.memory_space<vmem>> -> memref<1x128xi32, #tpu.memory_space<vmem>>
      %dma_start3A_79 = tpu.memref_squeeze %dma_start3A_78 : memref<1x128xi32, #tpu.memory_space<vmem>> -> memref<128xi32, #tpu.memory_space<vmem>>
      %dma_start3A_80 = arith.constant 0 : i32
      %dma_start3A_81 = arith.constant 0 : i32
      %dma_start3A_82 = tpu.memref_slice %arg16[%dma_start3A_80, %dma_start3A_81] : memref<10112x128xf32, #tpu.memory_space<vmem_shared>> -> memref<10112x128xf32, #tpu.memory_space<vmem_shared>>
      tpu.enqueue_indirect_dma source(%arg10 : memref<128x128xf32, #tpu.memory_space<vmem>>) target(%dma_start3A_82 : memref<10112x128xf32, #tpu.memory_space<vmem_shared>>) offsets(%dma_start3A_79 : memref<128xi32, #tpu.memory_space<vmem>>) semaphore(%run_scoped3A_76 : memref<!tpu.dma_semaphore, #tpu.memory_space<semaphore_mem>>) {add = true}
      %dma_wait3A_83 = arith.constant 0 : i32
      %dma_wait3A_84 = tpu.memref_slice %arg7[%run_scoped3A, %dma_wait3A_83] : memref<80x128xi32, #tpu.memory_space<vmem>> -> memref<1x128xi32, #tpu.memory_space<vmem>>
      %dma_wait3A_85 = tpu.memref_squeeze %dma_wait3A_84 : memref<1x128xi32, #tpu.memory_space<vmem>> -> memref<128xi32, #tpu.memory_space<vmem>>
      %dma_wait3A_86 = arith.constant 0 : i32
      %dma_wait3A_87 = arith.constant 0 : i32
      %dma_wait3A_88 = tpu.memref_slice %arg16[%dma_wait3A_86, %dma_wait3A_87] : memref<10112x128xf32, #tpu.memory_space<vmem_shared>> -> memref<10112x128xf32, #tpu.memory_space<vmem_shared>>
      tpu.wait_indirect_dma semaphore(%run_scoped3A_76 : memref<!tpu.dma_semaphore, #tpu.memory_space<semaphore_mem>>) src(%arg10 : memref<128x128xf32, #tpu.memory_space<vmem>>) dst(%dma_wait3A_88 : memref<10112x128xf32, #tpu.memory_space<vmem_shared>>)
      tpu.yield
    }) : () -> ()
    %dma_wait3A_63 = arith.constant 0 : i32
    %dma_wait3A_64 = arith.constant 0 : i32
    %dma_wait3A_65 = tpu.memref_slice %arg9[%dma_wait3A_63, %dma_wait3A_64] : memref<1x128xi32, #tpu.memory_space<vmem>> -> memref<1x128xi32, #tpu.memory_space<vmem>>
    %dma_wait3A_66 = tpu.memref_squeeze %dma_wait3A_65 : memref<1x128xi32, #tpu.memory_space<vmem>> -> memref<128xi32, #tpu.memory_space<vmem>>
    %dma_wait3A_67 = arith.constant 0 : i32
    %dma_wait3A_68 = arith.constant 0 : i32
    %dma_wait3A_69 = tpu.memref_slice %arg2[%dma_wait3A_67, %dma_wait3A_68] : memref<10000x128xf32, #tpu.memory_space<hbm>> -> memref<10000x128xf32, #tpu.memory_space<hbm>>
    tpu.wait_indirect_dma semaphore(%arg13 : memref<!tpu.dma_semaphore, #tpu.memory_space<semaphore_mem>>) src(%dma_wait3A_69 : memref<10000x128xf32, #tpu.memory_space<hbm>>) dst(%arg11 : memref<128x128xf32, #tpu.memory_space<vmem>>)
    %run_scoped3A_70 = arith.constant 79 : i32
    "tpu.region"() ({
      %run_scoped3A_76 = tpu.sem_alloc : memref<!tpu.dma_semaphore, #tpu.memory_space<semaphore_mem>>
      %dma_start3A_77 = arith.constant 0 : i32
      %dma_start3A_78 = tpu.memref_slice %arg7[%run_scoped3A_70, %dma_start3A_77] : memref<80x128xi32, #tpu.memory_space<vmem>> -> memref<1x128xi32, #tpu.memory_space<vmem>>
      %dma_start3A_79 = tpu.memref_squeeze %dma_start3A_78 : memref<1x128xi32, #tpu.memory_space<vmem>> -> memref<128xi32, #tpu.memory_space<vmem>>
      %dma_start3A_80 = arith.constant 0 : i32
      %dma_start3A_81 = arith.constant 0 : i32
      %dma_start3A_82 = tpu.memref_slice %arg16[%dma_start3A_80, %dma_start3A_81] : memref<10112x128xf32, #tpu.memory_space<vmem_shared>> -> memref<10112x128xf32, #tpu.memory_space<vmem_shared>>
      tpu.enqueue_indirect_dma source(%arg11 : memref<128x128xf32, #tpu.memory_space<vmem>>) target(%dma_start3A_82 : memref<10112x128xf32, #tpu.memory_space<vmem_shared>>) offsets(%dma_start3A_79 : memref<128xi32, #tpu.memory_space<vmem>>) semaphore(%run_scoped3A_76 : memref<!tpu.dma_semaphore, #tpu.memory_space<semaphore_mem>>) {add = true}
      %dma_wait3A_83 = arith.constant 0 : i32
      %dma_wait3A_84 = tpu.memref_slice %arg7[%run_scoped3A_70, %dma_wait3A_83] : memref<80x128xi32, #tpu.memory_space<vmem>> -> memref<1x128xi32, #tpu.memory_space<vmem>>
      %dma_wait3A_85 = tpu.memref_squeeze %dma_wait3A_84 : memref<1x128xi32, #tpu.memory_space<vmem>> -> memref<128xi32, #tpu.memory_space<vmem>>
      %dma_wait3A_86 = arith.constant 0 : i32
      %dma_wait3A_87 = arith.constant 0 : i32
      %dma_wait3A_88 = tpu.memref_slice %arg16[%dma_wait3A_86, %dma_wait3A_87] : memref<10112x128xf32, #tpu.memory_space<vmem_shared>> -> memref<10112x128xf32, #tpu.memory_space<vmem_shared>>
      tpu.wait_indirect_dma semaphore(%run_scoped3A_76 : memref<!tpu.dma_semaphore, #tpu.memory_space<semaphore_mem>>) src(%arg11 : memref<128x128xf32, #tpu.memory_space<vmem>>) dst(%dma_wait3A_88 : memref<10112x128xf32, #tpu.memory_space<vmem_shared>>)
      tpu.yield
    }) : () -> ()
    %barrier3A_71 = arith.constant 0 : index
    tpu.barrier barrier_id(%barrier3A_71)
    %mul3A_72 = arith.constant 632 : i32
    %mul3A_73 = arith.muli %arg1, %mul3A_72 : i32
    %mul3A_74 = arith.constant 632 : i32
    %mul3A_75 = arith.muli %arg1, %mul3A_74 : i32
    "tpu.region"() ({
      %run_scoped3A_76 = tpu.sem_alloc : memref<!tpu.dma_semaphore, #tpu.memory_space<semaphore_mem>>
      %dma_start3A_77 = arith.constant 0 : i32
      %dma_start3A_78 = tpu.memref_slice %arg6[%arg0, %mul3A_75, %dma_start3A_77] : memref<2x10112x128xf32, #tpu.memory_space<hbm>> -> memref<1x632x128xf32, #tpu.memory_space<hbm>>
      %dma_start3A_79 = tpu.memref_squeeze %dma_start3A_78 : memref<1x632x128xf32, #tpu.memory_space<hbm>> -> memref<632x128xf32, #tpu.memory_space<hbm>>
      %dma_start3A_80 = arith.constant 0 : i32
      %dma_start3A_81 = tpu.memref_slice %arg16[%mul3A_73, %dma_start3A_80] : memref<10112x128xf32, #tpu.memory_space<vmem_shared>> -> memref<632x128xf32, #tpu.memory_space<vmem_shared>>
      tpu.enqueue_dma source(%dma_start3A_81 : memref<632x128xf32, #tpu.memory_space<vmem_shared>>) target(%dma_start3A_79 : memref<632x128xf32, #tpu.memory_space<hbm>>) target_semaphore(%run_scoped3A_76 : memref<!tpu.dma_semaphore, #tpu.memory_space<semaphore_mem>>)
      %dma_wait3A_82 = arith.constant 0 : i32
      %dma_wait3A_83 = tpu.memref_slice %arg6[%arg0, %mul3A_75, %dma_wait3A_82] : memref<2x10112x128xf32, #tpu.memory_space<hbm>> -> memref<1x632x128xf32, #tpu.memory_space<hbm>>
      %dma_wait3A_84 = tpu.memref_squeeze %dma_wait3A_83 : memref<1x632x128xf32, #tpu.memory_space<hbm>> -> memref<632x128xf32, #tpu.memory_space<hbm>>
      %dma_wait3A_85 = arith.constant 0 : i32
      %dma_wait3A_86 = tpu.memref_slice %arg16[%mul3A_73, %dma_wait3A_85] : memref<10112x128xf32, #tpu.memory_space<vmem_shared>> -> memref<632x128xf32, #tpu.memory_space<vmem_shared>>
      tpu.wait_dma2 semaphore(%run_scoped3A_76 : memref<!tpu.dma_semaphore, #tpu.memory_space<semaphore_mem>>) src(%dma_wait3A_86 : memref<632x128xf32, #tpu.memory_space<vmem_shared>>) dst(%dma_wait3A_84 : memref<632x128xf32, #tpu.memory_space<hbm>>)
      tpu.yield
    }) : () -> ()
    return
  }
}

module attributes {stable_mosaic.version = 14 : i64} {
  func.func @_tc1_body(%arg0: i32, %arg1: memref<1000x128xf32, #tpu.memory_space<vmem>>, %arg2: memref<128x128xf32, #tpu.memory_space<vmem>>, %arg3: memref<1000x1xf32, #tpu.memory_space<vmem>>, %arg4: memref<1000x1xf32, #tpu.memory_space<vmem>>, %arg5: memref<1000x128xf32, #tpu.memory_space<vmem>>, %arg6: memref<1000x1xf32, #tpu.memory_space<vmem>>) attributes {dimension_semantics = [#tpu.dimension_semantics<arbitrary>], iteration_bounds = array<i64: 10>, scalar_prefetch = 0 : i64, scratch_operands = 0 : i64, tpu.core_type = #tpu.core_type<tc>, window_params = [{transform_indices = @transform_0, window_bounds = array<i64: 1000, 128>}, {pipeline_mode = #tpu.pipeline_mode<synchronous>, transform_indices = @transform_1, window_bounds = array<i64: 128, 128>}, {transform_indices = @transform_2, window_bounds = array<i64: 1000, 1>}, {transform_indices = @transform_3, window_bounds = array<i64: 1000, 1>}, {transform_indices = @transform_4, window_bounds = array<i64: 1000, 128>}, {transform_indices = @transform_5, window_bounds = array<i64: 1000, 1>}]} {
    %get3A = arith.constant 0 : index
    %get3A_0 = arith.constant 0 : index
    %get3A_1 = vector.load %arg3[%get3A, %get3A_0] : memref<1000x1xf32, #tpu.memory_space<vmem>>, vector<1000x1xf32>
    %get3A_2 = arith.constant 0 : index
    %get3A_3 = arith.constant 0 : index
    %get3A_4 = vector.load %arg4[%get3A_2, %get3A_3] : memref<1000x1xf32, #tpu.memory_space<vmem>>, vector<1000x1xf32>
    %add3A = arith.addf %get3A_1, %get3A_4 : vector<1000x1xf32>
    %add3A_5 = arith.constant 1.000000e+00 : f32
    %add3A_6 = vector.broadcast %add3A_5 : f32 to vector<1000x1xf32>
    %add3A_7 = arith.addf %add3A, %add3A_6 : vector<1000x1xf32>
    %rsqrt3A = math.rsqrt %add3A_7 : vector<1000x1xf32>
    %swap3A = arith.constant 0 : index
    %swap3A_8 = arith.constant 0 : index
    %swap3A_9 = vector.load %arg6[%swap3A, %swap3A_8] : memref<1000x1xf32, #tpu.memory_space<vmem>>, vector<1000x1xf32>
    tpu.vector_store %arg6[%swap3A, %swap3A_8], %rsqrt3A {strides = array<i32>} : memref<1000x1xf32, #tpu.memory_space<vmem>>, vector<1000x1xf32>,
    %get3A_10 = arith.constant 0 : index
    %get3A_11 = arith.constant 0 : index
    %get3A_12 = vector.load %arg1[%get3A_10, %get3A_11] : memref<1000x128xf32, #tpu.memory_space<vmem>>, vector<1000x128xf32>
    %get3A_13 = arith.constant 0 : index
    %get3A_14 = arith.constant 0 : index
    %get3A_15 = vector.load %arg2[%get3A_13, %get3A_14] : memref<128x128xf32, #tpu.memory_space<vmem>>, vector<128x128xf32>
    %dot_general3A = arith.constant dense<0.000000e+00> : vector<1000x128xf32>
    %dot_general3A_16 = tpu.matmul %get3A_12, %get3A_15, %dot_general3A {dimension_numbers = #tpu.dot_dimension_numbers<[1], [0], [0], [1], [0, 0, 1, 1], [], []>, transpose_lhs_hint = false} : vector<1000x128xf32>, vector<128x128xf32>, vector<1000x128xf32> -> vector<1000x128xf32>
    %mul3A = vector.broadcast %rsqrt3A : vector<1000x1xf32> to vector<1000x128xf32>
    %mul3A_17 = arith.mulf %dot_general3A_16, %mul3A : vector<1000x128xf32>
    %swap3A_18 = arith.constant 0 : index
    %swap3A_19 = arith.constant 0 : index
    %swap3A_20 = vector.load %arg5[%swap3A_18, %swap3A_19] : memref<1000x128xf32, #tpu.memory_space<vmem>>, vector<1000x128xf32>
    tpu.vector_store %arg5[%swap3A_18, %swap3A_19], %mul3A_17 {strides = array<i32>} : memref<1000x128xf32, #tpu.memory_space<vmem>>, vector<1000x128xf32>,
    return
  }
  func.func @transform_0(%arg0: i32) -> (i32, i32) {
    %c0_i32 = arith.constant 0 : i32
    %c0_i32_0 = arith.constant 0 : i32
    return %arg0, %c0_i32 : i32, i32
  }
  func.func @transform_1(%arg0: i32) -> (i32, i32) {
    %c0_i32 = arith.constant 0 : i32
    %c0_i32_0 = arith.constant 0 : i32
    %c0_i32_1 = arith.constant 0 : i32
    return %c0_i32, %c0_i32_0 : i32, i32
  }
  func.func @transform_2(%arg0: i32) -> (i32, i32) {
    %c0_i32 = arith.constant 0 : i32
    %c0_i32_0 = arith.constant 0 : i32
    return %arg0, %c0_i32 : i32, i32
  }
  func.func @transform_3(%arg0: i32) -> (i32, i32) {
    %c0_i32 = arith.constant 0 : i32
    %c0_i32_0 = arith.constant 0 : i32
    return %arg0, %c0_i32 : i32, i32
  }
  func.func @transform_4(%arg0: i32) -> (i32, i32) {
    %c0_i32 = arith.constant 0 : i32
    %c0_i32_0 = arith.constant 0 : i32
    return %arg0, %c0_i32 : i32, i32
  }
  func.func @transform_5(%arg0: i32) -> (i32, i32) {
    %c0_i32 = arith.constant 0 : i32
    %c0_i32_0 = arith.constant 0 : i32
    return %arg0, %c0_i32 : i32, i32
  }
}

module attributes {stable_mosaic.version = 14 : i64} {
  func.func @_tc2_body(%arg0: i32, %arg1: memref<1x1000x128xf32, #tpu.memory_space<vmem>>, %arg2: memref<1x1000x128xf32, #tpu.memory_space<vmem>>, %arg3: memref<1000x128xf32, #tpu.memory_space<vmem>>, %arg4: memref<1000x1xf32, #tpu.memory_space<vmem>>, %arg5: memref<1x128xf32, #tpu.memory_space<vmem>>, %arg6: memref<128x128xf32, #tpu.memory_space<vmem>>, %arg7: memref<1000x128xf32, #tpu.memory_space<vmem>>) attributes {dimension_semantics = [#tpu.dimension_semantics<arbitrary>], iteration_bounds = array<i64: 10>, scalar_prefetch = 0 : i64, scratch_operands = 0 : i64, tpu.core_type = #tpu.core_type<tc>, window_params = [{transform_indices = @transform_0, window_bounds = array<i64: 1, 1000, 128>}, {transform_indices = @transform_1, window_bounds = array<i64: 1, 1000, 128>}, {transform_indices = @transform_2, window_bounds = array<i64: 1000, 128>}, {transform_indices = @transform_3, window_bounds = array<i64: 1000, 1>}, {pipeline_mode = #tpu.pipeline_mode<synchronous>, transform_indices = @transform_4, window_bounds = array<i64: 1, 128>}, {pipeline_mode = #tpu.pipeline_mode<synchronous>, transform_indices = @transform_5, window_bounds = array<i64: 128, 128>}, {transform_indices = @transform_6, window_bounds = array<i64: 1000, 128>}]} {
    %get3A = arith.constant 0 : index
    %get3A_0 = arith.constant 0 : index
    %get3A_1 = vector.load %arg4[%get3A, %get3A_0] : memref<1000x1xf32, #tpu.memory_space<vmem>>, vector<1000x1xf32>
    %get3A_2 = arith.constant 0 : index
    %get3A_3 = arith.constant 0 : index
    %get3A_4 = arith.constant 0 : index
    %get3A_5 = vector.load %arg1[%get3A_2, %get3A_3, %get3A_4] : memref<1x1000x128xf32, #tpu.memory_space<vmem>>, vector<1x1000x128xf32>
    %get3A_6 = vector.shape_cast %get3A_5 : vector<1x1000x128xf32> to vector<1000x128xf32>
    %get3A_7 = arith.constant 0 : index
    %get3A_8 = arith.constant 0 : index
    %get3A_9 = arith.constant 0 : index
    %get3A_10 = vector.load %arg2[%get3A_7, %get3A_8, %get3A_9] : memref<1x1000x128xf32, #tpu.memory_space<vmem>>, vector<1x1000x128xf32>
    %get3A_11 = vector.shape_cast %get3A_10 : vector<1x1000x128xf32> to vector<1000x128xf32>
    %add3A = arith.addf %get3A_6, %get3A_11 : vector<1000x128xf32>
    %get3A_12 = arith.constant 0 : index
    %get3A_13 = arith.constant 0 : index
    %get3A_14 = vector.load %arg3[%get3A_12, %get3A_13] : memref<1000x128xf32, #tpu.memory_space<vmem>>, vector<1000x128xf32>
    %add3A_15 = arith.addf %add3A, %get3A_14 : vector<1000x128xf32>
    %mul3A = vector.broadcast %get3A_1 : vector<1000x1xf32> to vector<1000x128xf32>
    %mul3A_16 = arith.mulf %mul3A, %add3A_15 : vector<1000x128xf32>
    %get3A_17 = arith.constant 0 : index
    %get3A_18 = arith.constant 0 : index
    %get3A_19 = vector.load %arg5[%get3A_17, %get3A_18] : memref<1x128xf32, #tpu.memory_space<vmem>>, vector<1x128xf32>
    %add3A_20 = vector.broadcast %get3A_19 : vector<1x128xf32> to vector<1000x128xf32>
    %add3A_21 = arith.addf %mul3A_16, %add3A_20 : vector<1000x128xf32>
    %max3A = arith.constant 0.000000e+00 : f32
    %max3A_22 = vector.broadcast %max3A : f32 to vector<1000x128xf32>
    %max3A_23 = arith.maximumf %add3A_21, %max3A_22 : vector<1000x128xf32>
    %get3A_24 = arith.constant 0 : index
    %get3A_25 = arith.constant 0 : index
    %get3A_26 = vector.load %arg6[%get3A_24, %get3A_25] : memref<128x128xf32, #tpu.memory_space<vmem>>, vector<128x128xf32>
    %dot_general3A = arith.constant dense<0.000000e+00> : vector<1000x128xf32>
    %dot_general3A_27 = tpu.matmul %max3A_23, %get3A_26, %dot_general3A {dimension_numbers = #tpu.dot_dimension_numbers<[1], [0], [0], [1], [0, 0, 1, 1], [], []>, transpose_lhs_hint = false} : vector<1000x128xf32>, vector<128x128xf32>, vector<1000x128xf32> -> vector<1000x128xf32>
    %mul3A_28 = vector.broadcast %get3A_1 : vector<1000x1xf32> to vector<1000x128xf32>
    %mul3A_29 = arith.mulf %dot_general3A_27, %mul3A_28 : vector<1000x128xf32>
    %swap3A = arith.constant 0 : index
    %swap3A_30 = arith.constant 0 : index
    %swap3A_31 = vector.load %arg7[%swap3A, %swap3A_30] : memref<1000x128xf32, #tpu.memory_space<vmem>>, vector<1000x128xf32>
    tpu.vector_store %arg7[%swap3A, %swap3A_30], %mul3A_29 {strides = array<i32>} : memref<1000x128xf32, #tpu.memory_space<vmem>>, vector<1000x128xf32>,
    return
  }
  func.func @transform_0(%arg0: i32) -> (i32, i32, i32) {
    %c0_i32 = arith.constant 0 : i32
    %c0_i32_0 = arith.constant 0 : i32
    %c0_i32_1 = arith.constant 0 : i32
    return %c0_i32, %arg0, %c0_i32_0 : i32, i32, i32
  }
  func.func @transform_1(%arg0: i32) -> (i32, i32, i32) {
    %c1_i32 = arith.constant 1 : i32
    %c0_i32 = arith.constant 0 : i32
    %c0_i32_0 = arith.constant 0 : i32
    return %c1_i32, %arg0, %c0_i32 : i32, i32, i32
  }
  func.func @transform_2(%arg0: i32) -> (i32, i32) {
    %c0_i32 = arith.constant 0 : i32
    %c0_i32_0 = arith.constant 0 : i32
    return %arg0, %c0_i32 : i32, i32
  }
  func.func @transform_3(%arg0: i32) -> (i32, i32) {
    %c0_i32 = arith.constant 0 : i32
    %c0_i32_0 = arith.constant 0 : i32
    return %arg0, %c0_i32 : i32, i32
  }
  func.func @transform_4(%arg0: i32) -> (i32, i32) {
    %c0_i32 = arith.constant 0 : i32
    %c0_i32_0 = arith.constant 0 : i32
    %c0_i32_1 = arith.constant 0 : i32
    return %c0_i32, %c0_i32_0 : i32, i32
  }
  func.func @transform_5(%arg0: i32) -> (i32, i32) {
    %c0_i32 = arith.constant 0 : i32
    %c0_i32_0 = arith.constant 0 : i32
    %c0_i32_1 = arith.constant 0 : i32
    return %c0_i32, %c0_i32_0 : i32, i32
  }
  func.func @transform_6(%arg0: i32) -> (i32, i32) {
    %c0_i32 = arith.constant 0 : i32
    %c0_i32_0 = arith.constant 0 : i32
    return %arg0, %c0_i32 : i32, i32
  }
}

module attributes {stable_mosaic.version = 14 : i64} {
  func.func @_tc3_body(%arg0: i32, %arg1: memref<1x1000x128xf32, #tpu.memory_space<vmem>>, %arg2: memref<1x1000x128xf32, #tpu.memory_space<vmem>>, %arg3: memref<1000x128xf32, #tpu.memory_space<vmem>>, %arg4: memref<1000x1xf32, #tpu.memory_space<vmem>>, %arg5: memref<1x128xf32, #tpu.memory_space<vmem>>, %arg6: memref<1000x128xf32, #tpu.memory_space<vmem>>) attributes {dimension_semantics = [#tpu.dimension_semantics<arbitrary>], iteration_bounds = array<i64: 10>, scalar_prefetch = 0 : i64, scratch_operands = 0 : i64, tpu.core_type = #tpu.core_type<tc>, window_params = [{transform_indices = @transform_0, window_bounds = array<i64: 1, 1000, 128>}, {transform_indices = @transform_1, window_bounds = array<i64: 1, 1000, 128>}, {transform_indices = @transform_2, window_bounds = array<i64: 1000, 128>}, {transform_indices = @transform_3, window_bounds = array<i64: 1000, 1>}, {pipeline_mode = #tpu.pipeline_mode<synchronous>, transform_indices = @transform_4, window_bounds = array<i64: 1, 128>}, {transform_indices = @transform_5, window_bounds = array<i64: 1000, 128>}]} {
    %get3A = arith.constant 0 : index
    %get3A_0 = arith.constant 0 : index
    %get3A_1 = vector.load %arg4[%get3A, %get3A_0] : memref<1000x1xf32, #tpu.memory_space<vmem>>, vector<1000x1xf32>
    %get3A_2 = arith.constant 0 : index
    %get3A_3 = arith.constant 0 : index
    %get3A_4 = arith.constant 0 : index
    %get3A_5 = vector.load %arg1[%get3A_2, %get3A_3, %get3A_4] : memref<1x1000x128xf32, #tpu.memory_space<vmem>>, vector<1x1000x128xf32>
    %get3A_6 = vector.shape_cast %get3A_5 : vector<1x1000x128xf32> to vector<1000x128xf32>
    %get3A_7 = arith.constant 0 : index
    %get3A_8 = arith.constant 0 : index
    %get3A_9 = arith.constant 0 : index
    %get3A_10 = vector.load %arg2[%get3A_7, %get3A_8, %get3A_9] : memref<1x1000x128xf32, #tpu.memory_space<vmem>>, vector<1x1000x128xf32>
    %get3A_11 = vector.shape_cast %get3A_10 : vector<1x1000x128xf32> to vector<1000x128xf32>
    %add3A = arith.addf %get3A_6, %get3A_11 : vector<1000x128xf32>
    %get3A_12 = arith.constant 0 : index
    %get3A_13 = arith.constant 0 : index
    %get3A_14 = vector.load %arg3[%get3A_12, %get3A_13] : memref<1000x128xf32, #tpu.memory_space<vmem>>, vector<1000x128xf32>
    %add3A_15 = arith.addf %add3A, %get3A_14 : vector<1000x128xf32>
    %mul3A = vector.broadcast %get3A_1 : vector<1000x1xf32> to vector<1000x128xf32>
    %mul3A_16 = arith.mulf %mul3A, %add3A_15 : vector<1000x128xf32>
    %get3A_17 = arith.constant 0 : index
    %get3A_18 = arith.constant 0 : index
    %get3A_19 = vector.load %arg5[%get3A_17, %get3A_18] : memref<1x128xf32, #tpu.memory_space<vmem>>, vector<1x128xf32>
    %add3A_20 = vector.broadcast %get3A_19 : vector<1x128xf32> to vector<1000x128xf32>
    %add3A_21 = arith.addf %mul3A_16, %add3A_20 : vector<1000x128xf32>
    %max3A = arith.constant 0.000000e+00 : f32
    %max3A_22 = vector.broadcast %max3A : f32 to vector<1000x128xf32>
    %max3A_23 = arith.maximumf %add3A_21, %max3A_22 : vector<1000x128xf32>
    %swap3A = arith.constant 0 : index
    %swap3A_24 = arith.constant 0 : index
    %swap3A_25 = vector.load %arg6[%swap3A, %swap3A_24] : memref<1000x128xf32, #tpu.memory_space<vmem>>, vector<1000x128xf32>
    tpu.vector_store %arg6[%swap3A, %swap3A_24], %max3A_23 {strides = array<i32>} : memref<1000x128xf32, #tpu.memory_space<vmem>>, vector<1000x128xf32>,
    return
  }
  func.func @transform_0(%arg0: i32) -> (i32, i32, i32) {
    %c0_i32 = arith.constant 0 : i32
    %c0_i32_0 = arith.constant 0 : i32
    %c0_i32_1 = arith.constant 0 : i32
    return %c0_i32, %arg0, %c0_i32_0 : i32, i32, i32
  }
  func.func @transform_1(%arg0: i32) -> (i32, i32, i32) {
    %c1_i32 = arith.constant 1 : i32
    %c0_i32 = arith.constant 0 : i32
    %c0_i32_0 = arith.constant 0 : i32
    return %c1_i32, %arg0, %c0_i32 : i32, i32, i32
  }
  func.func @transform_2(%arg0: i32) -> (i32, i32) {
    %c0_i32 = arith.constant 0 : i32
    %c0_i32_0 = arith.constant 0 : i32
    return %arg0, %c0_i32 : i32, i32
  }
  func.func @transform_3(%arg0: i32) -> (i32, i32) {
    %c0_i32 = arith.constant 0 : i32
    %c0_i32_0 = arith.constant 0 : i32
    return %arg0, %c0_i32 : i32, i32
  }
  func.func @transform_4(%arg0: i32) -> (i32, i32) {
    %c0_i32 = arith.constant 0 : i32
    %c0_i32_0 = arith.constant 0 : i32
    %c0_i32_1 = arith.constant 0 : i32
    return %c0_i32, %c0_i32_0 : i32, i32
  }
  func.func @transform_5(%arg0: i32) -> (i32, i32) {
    %c0_i32 = arith.constant 0 : i32
    %c0_i32_0 = arith.constant 0 : i32
    return %arg0, %c0_i32 : i32, i32
  }
}

module attributes {stable_mosaic.version = 14 : i64} {
  func.func @_tc4_body(%arg0: memref<4096x128xf32, #tpu.memory_space<vmem>>, %arg1: memref<4096x20xf32, #tpu.memory_space<vmem>>, %arg2: memref<4096x20xf32, #tpu.memory_space<vmem>>, %arg3: memref<128x128xf32, #tpu.memory_space<vmem>>, %arg4: memref<20x128xf32, #tpu.memory_space<vmem>>, %arg5: memref<20x128xf32, #tpu.memory_space<vmem>>, %arg6: memref<1x128xf32, #tpu.memory_space<vmem>>, %arg7: memref<128x64xf32, #tpu.memory_space<vmem>>, %arg8: memref<1x64xf32, #tpu.memory_space<vmem>>, %arg9: memref<1x64xf32, #tpu.memory_space<vmem>>, %arg10: memref<1x1xf32, #tpu.memory_space<vmem>>, %arg11: memref<4096x1xf32, #tpu.memory_space<vmem>>) attributes {dimension_semantics = [], scalar_prefetch = 0 : i64, scratch_operands = 0 : i64, tpu.core_type = #tpu.core_type<tc>} {
    %get3A = arith.constant 0 : index
    %get3A_0 = arith.constant 0 : index
    %get3A_1 = vector.load %arg0[%get3A, %get3A_0] : memref<4096x128xf32, #tpu.memory_space<vmem>>, vector<4096x128xf32>
    %get3A_2 = arith.constant 0 : index
    %get3A_3 = arith.constant 0 : index
    %get3A_4 = vector.load %arg3[%get3A_2, %get3A_3] : memref<128x128xf32, #tpu.memory_space<vmem>>, vector<128x128xf32>
    %dot_general3A = arith.constant dense<0.000000e+00> : vector<4096x128xf32>
    %dot_general3A_5 = tpu.matmul %get3A_1, %get3A_4, %dot_general3A {dimension_numbers = #tpu.dot_dimension_numbers<[1], [0], [0], [1], [0, 0, 1, 1], [], []>, transpose_lhs_hint = false} : vector<4096x128xf32>, vector<128x128xf32>, vector<4096x128xf32> -> vector<4096x128xf32>
    %get3A_6 = arith.constant 0 : index
    %get3A_7 = arith.constant 0 : index
    %get3A_8 = vector.load %arg1[%get3A_6, %get3A_7] : memref<4096x20xf32, #tpu.memory_space<vmem>>, vector<4096x20xf32>
    %get3A_9 = arith.constant 0 : index
    %get3A_10 = arith.constant 0 : index
    %get3A_11 = vector.load %arg4[%get3A_9, %get3A_10] : memref<20x128xf32, #tpu.memory_space<vmem>>, vector<20x128xf32>
    %dot_general3A_12 = arith.constant dense<0.000000e+00> : vector<4096x128xf32>
    %dot_general3A_13 = tpu.matmul %get3A_8, %get3A_11, %dot_general3A_12 {dimension_numbers = #tpu.dot_dimension_numbers<[1], [0], [0], [1], [0, 0, 1, 1], [], []>, transpose_lhs_hint = false} : vector<4096x20xf32>, vector<20x128xf32>, vector<4096x128xf32> -> vector<4096x128xf32>
    %add3A = arith.addf %dot_general3A_5, %dot_general3A_13 : vector<4096x128xf32>
    %get3A_14 = arith.constant 0 : index
    %get3A_15 = arith.constant 0 : index
    %get3A_16 = vector.load %arg2[%get3A_14, %get3A_15] : memref<4096x20xf32, #tpu.memory_space<vmem>>, vector<4096x20xf32>
    %get3A_17 = arith.constant 0 : index
    %get3A_18 = arith.constant 0 : index
    %get3A_19 = vector.load %arg5[%get3A_17, %get3A_18] : memref<20x128xf32, #tpu.memory_space<vmem>>, vector<20x128xf32>
    %dot_general3A_20 = arith.constant dense<0.000000e+00> : vector<4096x128xf32>
    %dot_general3A_21 = tpu.matmul %get3A_16, %get3A_19, %dot_general3A_20 {dimension_numbers = #tpu.dot_dimension_numbers<[1], [0], [0], [1], [0, 0, 1, 1], [], []>, transpose_lhs_hint = false} : vector<4096x20xf32>, vector<20x128xf32>, vector<4096x128xf32> -> vector<4096x128xf32>
    %add3A_22 = arith.addf %add3A, %dot_general3A_21 : vector<4096x128xf32>
    %get3A_23 = arith.constant 0 : index
    %get3A_24 = arith.constant 0 : index
    %get3A_25 = vector.load %arg6[%get3A_23, %get3A_24] : memref<1x128xf32, #tpu.memory_space<vmem>>, vector<1x128xf32>
    %add3A_26 = vector.broadcast %get3A_25 : vector<1x128xf32> to vector<4096x128xf32>
    %add3A_27 = arith.addf %add3A_22, %add3A_26 : vector<4096x128xf32>
    %max3A = arith.constant 0.000000e+00 : f32
    %max3A_28 = vector.broadcast %max3A : f32 to vector<4096x128xf32>
    %max3A_29 = arith.maximumf %add3A_27, %max3A_28 : vector<4096x128xf32>
    %get3A_30 = arith.constant 0 : index
    %get3A_31 = arith.constant 0 : index
    %get3A_32 = vector.load %arg7[%get3A_30, %get3A_31] : memref<128x64xf32, #tpu.memory_space<vmem>>, vector<128x64xf32>
    %dot_general3A_33 = arith.constant dense<0.000000e+00> : vector<4096x64xf32>
    %dot_general3A_34 = tpu.matmul %max3A_29, %get3A_32, %dot_general3A_33 {dimension_numbers = #tpu.dot_dimension_numbers<[1], [0], [0], [1], [0, 0, 1, 1], [], []>, transpose_lhs_hint = false} : vector<4096x128xf32>, vector<128x64xf32>, vector<4096x64xf32> -> vector<4096x64xf32>
    %get3A_35 = arith.constant 0 : index
    %get3A_36 = arith.constant 0 : index
    %get3A_37 = vector.load %arg8[%get3A_35, %get3A_36] : memref<1x64xf32, #tpu.memory_space<vmem>>, vector<1x64xf32>
    %add3A_38 = vector.broadcast %get3A_37 : vector<1x64xf32> to vector<4096x64xf32>
    %add3A_39 = arith.addf %dot_general3A_34, %add3A_38 : vector<4096x64xf32>
    %max3A_40 = arith.constant 0.000000e+00 : f32
    %max3A_41 = vector.broadcast %max3A_40 : f32 to vector<4096x64xf32>
    %max3A_42 = arith.maximumf %add3A_39, %max3A_41 : vector<4096x64xf32>
    %get3A_43 = arith.constant 0 : index
    %get3A_44 = arith.constant 0 : index
    %get3A_45 = vector.load %arg9[%get3A_43, %get3A_44] : memref<1x64xf32, #tpu.memory_space<vmem>>, vector<1x64xf32>
    %mul3A = vector.broadcast %get3A_45 : vector<1x64xf32> to vector<4096x64xf32>
    %mul3A_46 = arith.mulf %max3A_42, %mul3A : vector<4096x64xf32>
    %reduce_sum3A = arith.constant dense<0.000000e+00> : vector<4096xf32>
    %reduce_sum3A_47 = vector.multi_reduction <add>, %mul3A_46, %reduce_sum3A [1] : vector<4096x64xf32> to vector<4096xf32>
    %broadcast_in_dim3A = vector.shape_cast %reduce_sum3A_47 : vector<4096xf32> to vector<4096x1xf32>
    %get3A_48 = arith.constant 0 : index
    %get3A_49 = arith.constant 0 : index
    %get3A_50 = vector.load %arg10[%get3A_48, %get3A_49] : memref<1x1xf32, #tpu.memory_space<vmem>>, vector<1x1xf32>
    %add3A_51 = vector.broadcast %get3A_50 : vector<1x1xf32> to vector<4096x1xf32>
    %add3A_52 = arith.addf %broadcast_in_dim3A, %add3A_51 : vector<4096x1xf32>
    %swap3A = arith.constant 0 : index
    %swap3A_53 = arith.constant 0 : index
    %swap3A_54 = vector.load %arg11[%swap3A, %swap3A_53] : memref<4096x1xf32, #tpu.memory_space<vmem>>, vector<4096x1xf32>
    tpu.vector_store %arg11[%swap3A, %swap3A_53], %add3A_52 {strides = array<i32>} : memref<4096x1xf32, #tpu.memory_space<vmem>>, vector<4096x1xf32>,
    return
  }
}

</mosaic_0001>

<sc_bundles>
// kernel: kernel.10.cloned.1.call-start
scs
__scs_entry_jumppad:
0x0: {  	(pc) =	sbr.rel $0x88, $3  }
0x1: {  	(tag) =	ssettag $0x0;
	lr =	simm.s32 $0x1  }
0x2: {  	[smem:$0x3F92] =	sst lr;
	_ =	strace $0xD0000000  }
0x3: {  	_ = 	snop  }
0x4: {  	_ = 	snop  }
0x5: {  	_ = 	snop  }
0x6: {  	_ = 	snop  }
0x7: {  	_ = 	snop  }
__scs_overlays_trampoline_lowered:
0x8: {  	[smem:$0x3FA1] =	sst s0  }
0x9: {  	[smem:$0x3FA2] =	sst s1  }
0xa: {  	[smem:$0x3FA3] =	sst s2  }
0xb: {  	[smem:$0x3FA4] =	sst s3  }
0xc: {  	[smem:$0x3FA5] =	sst s4  }
0xd: {  	[smem:$0x3FA6] =	sst s5  }
0xe: {  	[smem:$0x3FA7] =	sst s6  }
0xf: {  	[smem:$0x3FA8] =	sst s7  }
0x10: {  	[smem:$0x3FA9] =	sst s8  }
0x11: {  	[smem:$0x3FAA] =	sst s9;
	s0 =	simm.s32 @!p0 $0x0  }
0x12: {  	s1 =	sld [smem:$0x3F90];
	s0 =	simm.s32 @p0 $0x1  }
0x13: {  	[smem:$0x3FAB] =	sst s0;
	s0 =	simm.s32 @!p1 $0x0  }
0x14: {  	s2 =	sld [smem:$0x3F8F];
	s0 =	simm.s32 @p1 $0x1  }
0x15: {  	[smem:$0x3FAC] =	sst s0;
	s0 =	simm.s32 @!p2 $0x0  }
0x16: {  	s3 =	sld [smem:$0x3FDB];
	s0 =	simm.s32 @p2 $0x1  }
0x17: {  	s4 =	simm.s32 $0x1BF5;
	[smem:$0x3FAE] =	sst s0  }
0x18: {  	s0 =	sld [smem:$0x3F91];
	_ =	swait.ge [sflag:s4], $0x0  }
0x19: {  	s7 =	sld [smem:$0x3F92]  }
0x1a: {  	s8 =	sadd.s32 $0xFFFFE003, lr  }
0x1b: {  	s9 =	sadd.s32 $0xFFFFFEF7, lr;
	s5 =	simm.s32 $0xFFFFFFFF;
	p2 =	slt.u32 s8, $0xFFFFF086  }
0x1c: {  	p1 =	slt.u32 s9, $0xF7A;
	s5 =	simm.s32 @!p2 $0x0  }
0x1d: {  	s5 =	simm.s32 @p1 $0x1;
	p0 =	seq.s32 s7, s2  }
0x1e: {  	s7 =	smul.u32 @!p0 $0xF7A, s2;
	p2 =	seq.s32 @!p0 s5, $0x0  }
0x1f: {  	s9 =	smul.u32 $0xF7A, s1;
	s8 =	simm.s32 @!p0 $0x1BF5;
	p2 =	por !p2, p0  }
0x20: {  	[sflag:s8] =	ssyncset.s32 @!p0 $0xFFFFF086;
	s6 =	sadd.s32 @!p0 s3, s7;
	s7 =	simm.s32 @!p0 $0x108  }
0x21: {  	s3 =	sadd.s32 s3, s9;
	s6 =	sadd.s32 @!p0 $0x88, s6;
	s7 =	simm.s32 @p2 $0x1082  }
0x22: {  	[simem:s7], [sflag:s8] =	dma.local @!p0 [hbm:s6], $0xF7A  }
0x23: {  	s9 =	sor.u32 $0xD0000000, s2;
	s6 =	simm.s32 $0x108;
	_ =	swait.ge @!p0 [sflag:s8], $0x0  }
0x24: {  	s3 =	sadd.s32 $0x88, s3;
	s6 =	simm.s32 @!p1 $0x1082;
	[sflag:s4] =	ssyncset.s32 $0xFFFFF086  }
0x25: {  	[simem:s6], [sflag:s4] =	dma.local [hbm:s3], $0xF7A  }
0x26: {  	[smem:$0x3F92] =	sst s1;
	(tag) =	ssettag s2;
	_ =	strace s9  }
0x27: {  	s1 =	sld [smem:$0x3FA2]  }
0x28: {  	s2 =	sld [smem:$0x3FA3]  }
0x29: {  	s4 =	sld [smem:$0x3FA5]  }
0x2a: {  	p0 =	seq.s32 s5, $0x0;
	s5 =	sld [smem:$0x3FA6]  }
0x2b: {  	s6 =	sld [smem:$0x3FA7]  }
0x2c: {  	s7 =	sld [smem:$0x3FA8]  }
0x2d: {  	s3 =	simm.s32 $0x108;
	s8 =	sld [smem:$0x3FA9]  }
0x2e: {  	s3 =	simm.s32 @!p0 $0x1082;
	s9 =	sld [smem:$0x3FAA]  }
0x2f: {  	lr =	sadd.s32 s0, s3;
	s0 =	sld [smem:$0x3FA1]  }
0x30: {  	s3 =	sld [smem:$0x3FA4]  }
0x31: {  	[smem:$0x3FAD] =	sst s10  }
0x32: {  	s10 =	sld [smem:$0x3FAB];
	_ =	sdelay $0x3  }
0x33: {  	p0 =	seq.s32 s10, $0x1;
	s10 =	sld [smem:$0x3FAD];
	_ =	sdelay $0x3  }
0x34: {  	[smem:$0x3FAD] =	sst s10  }
0x35: {  	s10 =	sld [smem:$0x3FAC];
	_ =	sdelay $0x3  }
0x36: {  	p1 =	seq.s32 s10, $0x1;
	s10 =	sld [smem:$0x3FAD];
	_ =	sdelay $0x3  }
0x37: {  	[smem:$0x3FAD] =	sst s10  }
0x38: {  	s10 =	sld [smem:$0x3FAE]  }
0x39: {  	_ = 	snop;
	(pc) =	sbr.ind lr, $3  }
0x3a: {  	_ = 	snop  }
0x3b: {  	_ = 	snop  }
0x3c: {  	p2 =	seq.s32 s10, $0x1;
	s10 =	sld [smem:$0x3FAD]  }
0x3d: {  	_ =	shalt  }
0x3e: {  	_ =	shalt  }
0x3f: {  	_ =	shalt  }
0x40: {  	_ =	shalt  }
0x41: {  	_ =	shalt  }
0x42: {  	_ =	shalt  }
0x43: {  	_ =	shalt  }
0x44: {  	_ =	shalt  }
0x45: {  	_ =	shalt  }
0x46: {  	_ =	shalt  }
0x47: {  	_ =	shalt  }
0x48: {  	_ =	shalt  }
0x49: {  	_ =	shalt  }
0x4a: {  	_ =	shalt  }
0x4b: {  	_ =	shalt  }
0x4c: {  	_ =	shalt  }
0x4d: {  	_ =	shalt  }
0x4e: {  	_ =	shalt  }
0x4f: {  	_ =	shalt  }
0x50: {  	_ =	shalt  }
0x51: {  	_ =	shalt  }
0x52: {  	_ =	shalt  }
0x53: {  	_ =	shalt  }
0x54: {  	_ =	shalt  }
0x55: {  	_ =	shalt  }
0x56: {  	_ =	shalt  }
0x57: {  	_ =	shalt  }
0x58: {  	_ =	shalt  }
0x59: {  	_ =	shalt  }
0x5a: {  	_ =	shalt  }
0x5b: {  	_ =	shalt  }
0x5c: {  	_ =	shalt  }
0x5d: {  	_ =	shalt  }
0x5e: {  	_ =	shalt  }
0x5f: {  	_ =	shalt  }
0x60: {  	_ =	shalt  }
0x61: {  	_ =	shalt  }
0x62: {  	_ =	shalt  }
0x63: {  	_ =	shalt  }
0x64: {  	_ =	shalt  }
0x65: {  	_ =	shalt  }
0x66: {  	_ =	shalt  }
0x67: {  	_ =	shalt  }
0x68: {  	_ =	shalt  }
0x69: {  	_ =	shalt  }
0x6a: {  	_ =	shalt  }
0x6b: {  	_ =	shalt  }
0x6c: {  	_ =	shalt  }
0x6d: {  	_ =	shalt  }
0x6e: {  	_ =	shalt  }
0x6f: {  	_ =	shalt  }
0x70: {  	_ =	shalt  }
0x71: {  	_ =	shalt  }
0x72: {  	_ =	shalt  }
0x73: {  	_ =	shalt  }
0x74: {  	_ =	shalt  }
0x75: {  	_ =	shalt  }
0x76: {  	_ =	shalt  }
0x77: {  	_ =	shalt  }
0x78: {  	_ =	shalt  }
0x79: {  	_ =	shalt  }
0x7a: {  	_ =	shalt  }
0x7b: {  	_ =	shalt  }
0x7c: {  	_ =	shalt  }
0x7d: {  	_ =	shalt  }
0x7e: {  	_ =	shalt  }
0x7f: {  	_ =	shalt  }
0x80: {  	_ =	shalt  }
0x81: {  	_ =	shalt  }
0x82: {  	_ =	shalt  }
0x83: {  	_ =	shalt  }
0x84: {  	_ =	shalt  }
0x85: {  	_ =	shalt  }
0x86: {  	_ =	shalt  }
0x87: {  	_ =	shalt  }
.Lfunc_end0:
.L_simem_size_0:
called_computation_lowered:
.L_overlay_start_0:
0x88: {  	s2 =	sld [smem:$0x3FD9]  }
0x89: {  	s3 =	sld [smem:$0x3FFE];
	_ =	sdelay $0x1  }
0x8a: {  	s1 =	srdreg.scid  }
0x8b: {  	s0 =	sand.u32 $0x1, s1  }
0x8c: {  	s16 =	sshll.u32 s0, $0xA;
	s2 =	sadd.s32 s3, s2  }
0x8d: {  	s2 =	sadd.s32 s2, s16  }
0x8e: {  	[smem:$0x3FB9] =	sst s2  }
0x8f: {  	_ = 	snop  }
0x90: {  	(tm) =	ssettm $0x1  }
0x91: {  	s17 =	sld [smem:$0x3FFB];
	_ =	sdelay $0x3  }
0x92: {  	_ =	strace s17  }
0x93: {  	s2 =	sld [smem:$0x3FFC];
	_ =	sdelay $0x3  }
0x94: {  	_ =	strace s2  }
0x95: {  	s2 =	sld [smem:$0x3FFD];
	_ =	sdelay $0x3  }
0x96: {  	_ =	strace s2  }
0x97: {  	_ =	strace $0x8FFFFFFF  }
0x98: {  	s18 =	sld [smem:$0x3FDB];
	_ =	sdelay $0x1  }
0x99: {  	s19 =	simm.s32 $_scs_section_size  }
0x9a: {  	s4 =	simm.s32 $_size__tile_overlayer_lowered;
	s5 =	simm.s32 $_tile_overlayer_lowered  }
0x9b: {  	s22 =	simm.s32 $0x1BFF;
	s21 =	sshll.u32 s5, $0x1;
	s2 =	sadd.s32 s19, s18  }
0x9c: {  	s6 =	simm.s32 $0x0;
	s20 =	sshll.u32 s4, $0x1;
	s4 =	sadd.s32 s21, s2  }
0x9d: {  	[timem:s6], [sflag:s22] =	dma.local [hbm:s4], s20  }
0x9e: {  	_ =	swait.ge [sflag:s22], s20  }
0x9f: {  	s3 =	ssub.s32 $0x0, s20;
	[sflag:s22] =	ssyncset.done $0x0  }
0xa0: {  	[sflag:s22] =	ssyncadd.s32 s3;
	_ =	sdelay $0x1  }
0xa1: {  	s23 =	simm.s32 $0x1B8B  }
0xa2: {  	_ =	swait.ge [sflag:s23], $0x1  }
0xa3: {  	[sflag:s23] =	ssyncset.done $0x0  }
0xa4: {  	s25 =	simm.s32 $0x1B8E;
	s24 =	sld [smem:$0x3FFE];
	[sflag:s23] =	ssyncadd.s32 $0xFFFFFFFF  }
0xa5: {  	s26 =	simm.s32 $execute0_lowered;
	[smem:$0x3FD2] =	sst s25  }
0xa6: {  	s4 =	sshll.u32 s26, $0x1;
	_ =	strace $0x80000046;
	[dreg:$0x1] =	wrdreg $0xFFFFFFFF  }
0xa7: {  	s28 =	simm.s32 $_size_execute0_lowered;
	s2 =	sadd.s32 s2, s4;
	[dreg:$0x0] =	wrdreg $0x0  }
0xa8: {  	s4 =	sshll.u32 s28, $0x1;
	[dreg:$0x2] =	wrdreg s2  }
0xa9: {  	[dreg:$0x3] =	wrdreg s4  }
0xaa: {  	[dreg:$0x4] =	wrdreg $0xC0  }
0xab: {  	_ =	task [dreg:s6], $0x5FFFF  }
0xac: {  	[dreg:$0x1] =	wrdreg $0xFFFFFFFF  }
0xad: {  	[dreg:$0x0] =	wrdreg $0x60  }
0xae: {  	[dreg:$0x2] =	wrdreg s24  }
0xaf: {  	[dreg:$0x3] =	wrdreg $0x68000  }
0xb0: {  	[dreg:$0x4] =	wrdreg $0x9  }
0xb1: {  	_ =	task.clear_ibuf [dreg:s6], $0x5FFFF;
	_ =	strace $0x90000046  }
0xb2: {  	s29 =	simm.s32 $0x9;
	_ =	strace $0x80000048  }
0xb3: {  	_ =	swait.ge [sflag:s29], $0x1  }
0xb4: {  	[sflag:s29] =	ssyncadd.s32 $0xFFFFFFFF  }
0xb5: {  	_ =	strace $0x90000048  }
0xb6: {  	_ =	sfence  }
0xb7: {  	s30 =	sld [smem:$0x0];
	_ =	sdelay $0x2  }
0xb8: {  	s31 =	sshll.u32 s1, $0xD;
	s1 =	sshrl.u32 s1, $0x2  }
0xb9: {  	s3 =	sand.u32 $0x4000, s31;
	s1 =	sadd.s32 s1, s30  }
0xba: {  	s0 =	sor.u32 s3, s0;
	s1 =	sshll.u32 s1, $0x11  }
0xbb: {  	s0 =	sor.u32 s1, s0  }
0xbc: {  	s0 =	sadd.s32 $0x8F2B, s0  }
0xbd: {  	[sflag:s0] =	ssyncadd.remote.s32 $0x1  }
0xbe: {  	_ =	sfence.sel $0xFFFF  }
0xbf: {  	[dreg:$0x0] =	wrdreg $0xFFFFFFFF;
	(pc) =	sbr.abs _section_cstart, $3  }
0xc0: {  	[dreg:$0x1] =	wrdreg $0xFFFFFFFF  }
0xc1: {  	_ =	task.clear_ibuf [dreg:s6], $0x2FFFF;
	_ =	strace $0x9FFFFFFF  }
0xc2: {  	(tm) =	ssettm $0x7FFFFFFF  }
0xc3: {  	_ =	shalt  }
tec
execute0_lowered:
.L_overlay_start_1:
0x0: {  	(tag) =	ssettag $0x1  }
0x1: {  	s0 =	srdreg.scid;
	s6 =	rddreg [dreg:$0x0]  }
0x2: {  	s2 =	rddreg [dreg:$0x1];
	s5 =	sand.u32 $0x1, s0;
	s0 =	stileid.u32  }
0x3: {  	s3 =	simm.s32 $0x0;
	s14 =	simm.s32 $0x0;
	s7 =	smul.u32 $0x13C00, s0  }
0x4: {  	[smem:$0x7FF] =	sst s3;
	s1 =	sshll.u32 s5, $0x4;
	s8 =	smul.u32 $0x13C000, s5  }
0x5: {  	s5 =	ssub.s32 $0x2, s5;
	s29 =	smul.u32 $0x4F000, s0;
	s31 =	sshll.u32 s0, $0x6  }
0x6: {  	s4 =	sor.u32 s0, s1;
	s1 =	rddreg [dreg:$0x2];
	_ =	strace $0x80000047  }
0x7: {  	s11 =	sshrl.u32 s5, $0x1;
	s4 =	smul.u32 $0x500, s4;
	s10 =	sshrl.u32 s7, $0x3  }
0x8: {  	s7 =	sadd.s32 s7, s8;
	s11 =	ssub.s32 s5, s11;
	s30 =	sshrl.u32 s29, $0x2  }
0x9: {  	s10 =	sadd.s32 s10, s6;
	s7 =	sshrl.u32 s7, $0x3;
	s13 =	sadd.s32 s30, s2  }
0xa: {  	s9 =	sadd.s32 s4, s6;
	s4 =	sadd.s32 $0x3F200, s6;
	s12 =	sadd.s32 s7, s6  }
0xb: {  	s5 =	sadd.s32 $0x17A00, s10;
	s6 =	sor.u32 $0x1C01, s31;
	s10 =	sshrl.u32 s13, $0x3  }
0xc: {  	s13 =	simm.s32 $0x80;
	s7 =	sadd.s32 $0x3A00, s9;
	s8 =	sadd.s32 $0x3FA00, s12  }
0xd: {  	s9 =	smax.u32 s11, $0x1;
	s11 =	simm.s32 $0x1;
	s12 =	simm.s32 $0x2800  }
.LBB2_1:
0xe: {  	[spmem:s10], [sflag:s6] =	dma.local [hbm:s5], $0x2780  }
0xf: {  	_ =	swait.ge [sflag:s11], $0x2780  }
0x10: {  	[sflag:s11] =	ssyncset.done $0x0  }
0x11: {  	[sflag:s11] =	ssyncadd.s32 $0xFFFFD880  }
0x12: {  	[tilespmem:s12], [sflag:$0x1] =	stream.linear.gather [hbm4b:s4+s3], $0x4000, $0x38;
	[tilespmem:$0x1A400] =	vst v63  }
0x13: {  	_ =	swait.ge [sflag:s11], $0x4000  }
0x14: {  	[sflag:s11] =	ssyncset.done $0x0  }
0x15: {  	[sflag:s11] =	ssyncadd.s32 $0xFFFFC000  }
0x16: {  	[tilespmem:s3], [sflag:$0x1] =	stream.linear.gather [hbm4b:s7+s3], $0x2800, $0x38;
	[tilespmem:$0x1A400] =	vst v63  }
0x17: {  	_ =	swait.ge [sflag:s11], $0x2800  }
0x18: {  	[sflag:s11] =	ssyncset.done $0x0  }
0x19: {  	[sflag:s11] =	ssyncadd.s32 $0xFFFFD800  }
0x1a: {  	s15 =	simm.s32 $0x0;
	[bflag:$0x0] =	sbarrier.arrive $0xFFFF  }
0x1b: {  	[spmem:s2] =	stream.indirect.scatter.add.f32 [tilespmem:s12], [sflag:$0x1], $0x80, s15, s13, $0xb8;
	[tilespmem:$0x1A400] =	vst v63  }
0x1c: {  	_ =	swait.ge [sflag:s11], $0x4000  }
0x1d: {  	s15 =	simm.s32 $0x200;
	[sflag:s11] =	ssyncset.done $0x0  }
.LBB2_2:
0x1e: {  	s16 =	sshra.s32 s15, $0x2;
	[sflag:s11] =	ssyncadd.s32 $0xFFFFC000;
	p0 =	sne.s32 s15, $0x9E00  }
0x1f: {  	[spmem:s2] =	stream.indirect.scatter.add.f32 [tilespmem:s12], [sflag:$0x1], $0x80, s16, s13, $0xb8;
	[tilespmem:$0x1A400] =	vst v63  }
.Ltmp0:
0x20: {  	_ = 	snop;
	(pc) =	sbr.rel @p0 .LBB2_2-.Ltmp0, $4  }
0x21: {  	_ = 	snop  }
0x22: {  	s15 =	sadd.s32 $0x200, s15  }
0x23: {  	_ =	swait.ge [sflag:s11], $0x4000  }
0x24: {  	[sflag:s11] =	ssyncset.done $0x0  }
0x25: {  	s14 =	sadd.s32 $0x1, s14  }
0x26: {  	[sflag:s11] =	ssyncadd.s32 $0xFFFFC000;
	p0 =	sne.s32 s14, s9  }
.Ltmp1:
0x27: {  	[bflag:$0x0] =	sbarrier.arrive $0xFFFF;
	(pc) =	sbr.rel @p0 .LBB2_1-.Ltmp1, $4  }
0x28: {  	[hbm:s8], [sflag:s6] =	dma.local [spmem:s10], $0x2780  }
0x29: {  	_ =	swait.ge [sflag:s11], $0x2780  }
0x2a: {  	[sflag:s11] =	ssyncset.done $0x0  }
0x2b: {  	[sflag:s11] =	ssyncadd.s32 $0xFFFFD880  }
0x2c: {  	_ =	sfence.sel $0x180000  }
0x2d: {  	[bflag:$0x0] =	sbarrier.arrive $0xFFFF  }
0x2e: {  	p0 =	sne.s32 s0, $0x0;
	_ =	strace $0x90000047  }
0x2f: {  	s0 =	sadd.s32 @!p0 $0x100000, s1;
	[bflag:$0x2] =	sbarrier.arrive $0xFFFF  }
0x30: {  	[sflag:s0] =	ssyncadd.tile.s32 @!p0 $0x1;
	_ =	shalt  }
.Lfunc_end2:
_tile_overlayer_lowered:
.L_overlay_start_2:
0x31: {  	(tag) =	ssettag $0x2  }
0x32: {  	s0 =	rddreg [dreg:$0x0];
	s2 =	stileid.u32  }
0x33: {  	s1 =	rddreg [dreg:$0x1];
	p0 =	sne.s32 s2, $0x0  }
0x34: {  	s3 =	rddreg [dreg:$0x2];
	[bflag:$0x3] =	sbarrier.arrive $0xFFFF;
	s2 =	simm.s32 @!p0 $0x1C01  }
0x35: {  	[timem:s3], [sflag:s2] =	dma.local @!p0 [hbm:s0], s1  }
0x36: {  	s0 =	simm.s32 @!p0 $0x1  }
0x37: {  	_ =	swait.ge @!p0 [sflag:s0], s1  }
0x38: {  	s1 =	ssub.s32 @!p0 $0x0, s1;
	[sflag:s0] =	ssyncset.done @!p0 $0x0  }
0x39: {  	[sflag:s0] =	ssyncadd.s32 @!p0 s1  }
0x3a: {  	[bflag:$0x3] =	sbarrier.arrive $0xFFFF  }
0x3b: {  	_ =	shalt  }

// kernel: kernel.13.cloned.1.call-start
scs
__scs_entry_jumppad:
0x0: {  	(pc) =	sbr.rel $0x88, $3  }
0x1: {  	(tag) =	ssettag $0x0;
	lr =	simm.s32 $0x1  }
0x2: {  	[smem:$0x3F92] =	sst lr;
	_ =	strace $0xD0000000  }
0x3: {  	_ = 	snop  }
0x4: {  	_ = 	snop  }
0x5: {  	_ = 	snop  }
0x6: {  	_ = 	snop  }
0x7: {  	_ = 	snop  }
__scs_overlays_trampoline_lowered:
0x8: {  	[smem:$0x3FA1] =	sst s0  }
0x9: {  	[smem:$0x3FA2] =	sst s1  }
0xa: {  	[smem:$0x3FA3] =	sst s2  }
0xb: {  	[smem:$0x3FA4] =	sst s3  }
0xc: {  	[smem:$0x3FA5] =	sst s4  }
0xd: {  	[smem:$0x3FA6] =	sst s5  }
0xe: {  	[smem:$0x3FA7] =	sst s6  }
0xf: {  	[smem:$0x3FA8] =	sst s7  }
0x10: {  	[smem:$0x3FA9] =	sst s8  }
0x11: {  	[smem:$0x3FAA] =	sst s9;
	s0 =	simm.s32 @!p0 $0x0  }
0x12: {  	s1 =	sld [smem:$0x3F90];
	s0 =	simm.s32 @p0 $0x1  }
0x13: {  	[smem:$0x3FAB] =	sst s0;
	s0 =	simm.s32 @!p1 $0x0  }
0x14: {  	s2 =	sld [smem:$0x3F8F];
	s0 =	simm.s32 @p1 $0x1  }
0x15: {  	[smem:$0x3FAC] =	sst s0;
	s0 =	simm.s32 @!p2 $0x0  }
0x16: {  	s3 =	sld [smem:$0x3FDB];
	s0 =	simm.s32 @p2 $0x1  }
0x17: {  	s4 =	simm.s32 $0x1BF5;
	[smem:$0x3FAE] =	sst s0  }
0x18: {  	s0 =	sld [smem:$0x3F91];
	_ =	swait.ge [sflag:s4], $0x0  }
0x19: {  	s7 =	sld [smem:$0x3F92]  }
0x1a: {  	s8 =	sadd.s32 $0xFFFFE003, lr  }
0x1b: {  	s9 =	sadd.s32 $0xFFFFFEF7, lr;
	s5 =	simm.s32 $0xFFFFFFFF;
	p2 =	slt.u32 s8, $0xFFFFF086  }
0x1c: {  	p1 =	slt.u32 s9, $0xF7A;
	s5 =	simm.s32 @!p2 $0x0  }
0x1d: {  	s5 =	simm.s32 @p1 $0x1;
	p0 =	seq.s32 s7, s2  }
0x1e: {  	s7 =	smul.u32 @!p0 $0xF7A, s2;
	p2 =	seq.s32 @!p0 s5, $0x0  }
0x1f: {  	s9 =	smul.u32 $0xF7A, s1;
	s8 =	simm.s32 @!p0 $0x1BF5;
	p2 =	por !p2, p0  }
0x20: {  	[sflag:s8] =	ssyncset.s32 @!p0 $0xFFFFF086;
	s6 =	sadd.s32 @!p0 s3, s7;
	s7 =	simm.s32 @!p0 $0x108  }
0x21: {  	s3 =	sadd.s32 s3, s9;
	s6 =	sadd.s32 @!p0 $0x88, s6;
	s7 =	simm.s32 @p2 $0x1082  }
0x22: {  	[simem:s7], [sflag:s8] =	dma.local @!p0 [hbm:s6], $0xF7A  }
0x23: {  	s9 =	sor.u32 $0xD0000000, s2;
	s6 =	simm.s32 $0x108;
	_ =	swait.ge @!p0 [sflag:s8], $0x0  }
0x24: {  	s3 =	sadd.s32 $0x88, s3;
	s6 =	simm.s32 @!p1 $0x1082;
	[sflag:s4] =	ssyncset.s32 $0xFFFFF086  }
0x25: {  	[simem:s6], [sflag:s4] =	dma.local [hbm:s3], $0xF7A  }
0x26: {  	[smem:$0x3F92] =	sst s1;
	(tag) =	ssettag s2;
	_ =	strace s9  }
0x27: {  	s1 =	sld [smem:$0x3FA2]  }
0x28: {  	s2 =	sld [smem:$0x3FA3]  }
0x29: {  	s4 =	sld [smem:$0x3FA5]  }
0x2a: {  	p0 =	seq.s32 s5, $0x0;
	s5 =	sld [smem:$0x3FA6]  }
0x2b: {  	s6 =	sld [smem:$0x3FA7]  }
0x2c: {  	s7 =	sld [smem:$0x3FA8]  }
0x2d: {  	s3 =	simm.s32 $0x108;
	s8 =	sld [smem:$0x3FA9]  }
0x2e: {  	s3 =	simm.s32 @!p0 $0x1082;
	s9 =	sld [smem:$0x3FAA]  }
0x2f: {  	lr =	sadd.s32 s0, s3;
	s0 =	sld [smem:$0x3FA1]  }
0x30: {  	s3 =	sld [smem:$0x3FA4]  }
0x31: {  	[smem:$0x3FAD] =	sst s10  }
0x32: {  	s10 =	sld [smem:$0x3FAB];
	_ =	sdelay $0x3  }
0x33: {  	p0 =	seq.s32 s10, $0x1;
	s10 =	sld [smem:$0x3FAD];
	_ =	sdelay $0x3  }
0x34: {  	[smem:$0x3FAD] =	sst s10  }
0x35: {  	s10 =	sld [smem:$0x3FAC];
	_ =	sdelay $0x3  }
0x36: {  	p1 =	seq.s32 s10, $0x1;
	s10 =	sld [smem:$0x3FAD];
	_ =	sdelay $0x3  }
0x37: {  	[smem:$0x3FAD] =	sst s10  }
0x38: {  	s10 =	sld [smem:$0x3FAE]  }
0x39: {  	_ = 	snop;
	(pc) =	sbr.ind lr, $3  }
0x3a: {  	_ = 	snop  }
0x3b: {  	_ = 	snop  }
0x3c: {  	p2 =	seq.s32 s10, $0x1;
	s10 =	sld [smem:$0x3FAD]  }
0x3d: {  	_ =	shalt  }
0x3e: {  	_ =	shalt  }
0x3f: {  	_ =	shalt  }
0x40: {  	_ =	shalt  }
0x41: {  	_ =	shalt  }
0x42: {  	_ =	shalt  }
0x43: {  	_ =	shalt  }
0x44: {  	_ =	shalt  }
0x45: {  	_ =	shalt  }
0x46: {  	_ =	shalt  }
0x47: {  	_ =	shalt  }
0x48: {  	_ =	shalt  }
0x49: {  	_ =	shalt  }
0x4a: {  	_ =	shalt  }
0x4b: {  	_ =	shalt  }
0x4c: {  	_ =	shalt  }
0x4d: {  	_ =	shalt  }
0x4e: {  	_ =	shalt  }
0x4f: {  	_ =	shalt  }
0x50: {  	_ =	shalt  }
0x51: {  	_ =	shalt  }
0x52: {  	_ =	shalt  }
0x53: {  	_ =	shalt  }
0x54: {  	_ =	shalt  }
0x55: {  	_ =	shalt  }
0x56: {  	_ =	shalt  }
0x57: {  	_ =	shalt  }
0x58: {  	_ =	shalt  }
0x59: {  	_ =	shalt  }
0x5a: {  	_ =	shalt  }
0x5b: {  	_ =	shalt  }
0x5c: {  	_ =	shalt  }
0x5d: {  	_ =	shalt  }
0x5e: {  	_ =	shalt  }
0x5f: {  	_ =	shalt  }
0x60: {  	_ =	shalt  }
0x61: {  	_ =	shalt  }
0x62: {  	_ =	shalt  }
0x63: {  	_ =	shalt  }
0x64: {  	_ =	shalt  }
0x65: {  	_ =	shalt  }
0x66: {  	_ =	shalt  }
0x67: {  	_ =	shalt  }
0x68: {  	_ =	shalt  }
0x69: {  	_ =	shalt  }
0x6a: {  	_ =	shalt  }
0x6b: {  	_ =	shalt  }
0x6c: {  	_ =	shalt  }
0x6d: {  	_ =	shalt  }
0x6e: {  	_ =	shalt  }
0x6f: {  	_ =	shalt  }
0x70: {  	_ =	shalt  }
0x71: {  	_ =	shalt  }
0x72: {  	_ =	shalt  }
0x73: {  	_ =	shalt  }
0x74: {  	_ =	shalt  }
0x75: {  	_ =	shalt  }
0x76: {  	_ =	shalt  }
0x77: {  	_ =	shalt  }
0x78: {  	_ =	shalt  }
0x79: {  	_ =	shalt  }
0x7a: {  	_ =	shalt  }
0x7b: {  	_ =	shalt  }
0x7c: {  	_ =	shalt  }
0x7d: {  	_ =	shalt  }
0x7e: {  	_ =	shalt  }
0x7f: {  	_ =	shalt  }
0x80: {  	_ =	shalt  }
0x81: {  	_ =	shalt  }
0x82: {  	_ =	shalt  }
0x83: {  	_ =	shalt  }
0x84: {  	_ =	shalt  }
0x85: {  	_ =	shalt  }
0x86: {  	_ =	shalt  }
0x87: {  	_ =	shalt  }
.Lfunc_end0:
.L_simem_size_0:
called_computation.1_lowered:
.L_overlay_start_0:
0x88: {  	s2 =	sld [smem:$0x3FD9]  }
0x89: {  	s3 =	sld [smem:$0x3FFE];
	_ =	sdelay $0x1  }
0x8a: {  	s1 =	srdreg.scid  }
0x8b: {  	s0 =	sand.u32 $0x1, s1  }
0x8c: {  	s16 =	sshll.u32 s0, $0xA;
	s2 =	sadd.s32 s3, s2  }
0x8d: {  	s2 =	sadd.s32 s2, s16  }
0x8e: {  	[smem:$0x3FB9] =	sst s2  }
0x8f: {  	_ = 	snop  }
0x90: {  	(tm) =	ssettm $0x1  }
0x91: {  	s17 =	sld [smem:$0x3FFB];
	_ =	sdelay $0x3  }
0x92: {  	_ =	strace s17  }
0x93: {  	s2 =	sld [smem:$0x3FFC];
	_ =	sdelay $0x3  }
0x94: {  	_ =	strace s2  }
0x95: {  	s2 =	sld [smem:$0x3FFD];
	_ =	sdelay $0x3  }
0x96: {  	_ =	strace s2  }
0x97: {  	_ =	strace $0x8FFFFFFF  }
0x98: {  	s18 =	sld [smem:$0x3FDB];
	_ =	sdelay $0x1  }
0x99: {  	s19 =	simm.s32 $_scs_section_size  }
0x9a: {  	s4 =	simm.s32 $_size__tile_overlayer_lowered;
	s5 =	simm.s32 $_tile_overlayer_lowered  }
0x9b: {  	s22 =	simm.s32 $0x1BFF;
	s21 =	sshll.u32 s5, $0x1;
	s2 =	sadd.s32 s19, s18  }
0x9c: {  	s6 =	simm.s32 $0x0;
	s20 =	sshll.u32 s4, $0x1;
	s4 =	sadd.s32 s21, s2  }
0x9d: {  	[timem:s6], [sflag:s22] =	dma.local [hbm:s4], s20  }
0x9e: {  	_ =	swait.ge [sflag:s22], s20  }
0x9f: {  	s3 =	ssub.s32 $0x0, s20;
	[sflag:s22] =	ssyncset.done $0x0  }
0xa0: {  	[sflag:s22] =	ssyncadd.s32 s3;
	_ =	sdelay $0x1  }
0xa1: {  	s23 =	simm.s32 $0x1B8B  }
0xa2: {  	_ =	swait.ge [sflag:s23], $0x1  }
0xa3: {  	[sflag:s23] =	ssyncset.done $0x0  }
0xa4: {  	s25 =	simm.s32 $0x1B8E;
	s24 =	sld [smem:$0x3FFE];
	[sflag:s23] =	ssyncadd.s32 $0xFFFFFFFF  }
0xa5: {  	s26 =	simm.s32 $execute0_lowered;
	[smem:$0x3FD2] =	sst s25  }
0xa6: {  	s4 =	sshll.u32 s26, $0x1;
	_ =	strace $0x80000049;
	[dreg:$0x1] =	wrdreg $0xFFFFFFFF  }
0xa7: {  	s28 =	simm.s32 $_size_execute0_lowered;
	s2 =	sadd.s32 s2, s4;
	[dreg:$0x0] =	wrdreg $0x0  }
0xa8: {  	s4 =	sshll.u32 s28, $0x1;
	[dreg:$0x2] =	wrdreg s2  }
0xa9: {  	[dreg:$0x3] =	wrdreg s4  }
0xaa: {  	[dreg:$0x4] =	wrdreg $0xC0  }
0xab: {  	_ =	task [dreg:s6], $0x5FFFF  }
0xac: {  	[dreg:$0x1] =	wrdreg $0xFFFFFFFF  }
0xad: {  	[dreg:$0x0] =	wrdreg $0x60  }
0xae: {  	[dreg:$0x2] =	wrdreg s24  }
0xaf: {  	[dreg:$0x3] =	wrdreg $0xA9000  }
0xb0: {  	[dreg:$0x4] =	wrdreg $0x9  }
0xb1: {  	_ =	task.clear_ibuf [dreg:s6], $0x5FFFF;
	_ =	strace $0x90000049  }
0xb2: {  	s29 =	simm.s32 $0x9;
	_ =	strace $0x8000004B  }
0xb3: {  	_ =	swait.ge [sflag:s29], $0x1  }
0xb4: {  	[sflag:s29] =	ssyncadd.s32 $0xFFFFFFFF  }
0xb5: {  	_ =	strace $0x9000004B  }
0xb6: {  	_ =	sfence  }
0xb7: {  	s30 =	sld [smem:$0x0];
	_ =	sdelay $0x2  }
0xb8: {  	s31 =	sshll.u32 s1, $0xD;
	s1 =	sshrl.u32 s1, $0x2  }
0xb9: {  	s3 =	sand.u32 $0x4000, s31;
	s1 =	sadd.s32 s1, s30  }
0xba: {  	s0 =	sor.u32 s3, s0;
	s1 =	sshll.u32 s1, $0x11  }
0xbb: {  	s0 =	sor.u32 s1, s0  }
0xbc: {  	s0 =	sadd.s32 $0x8F2B, s0  }
0xbd: {  	[sflag:s0] =	ssyncadd.remote.s32 $0x1  }
0xbe: {  	_ =	sfence.sel $0xFFFF  }
0xbf: {  	[dreg:$0x0] =	wrdreg $0xFFFFFFFF;
	(pc) =	sbr.abs _section_cstart, $3  }
0xc0: {  	[dreg:$0x1] =	wrdreg $0xFFFFFFFF  }
0xc1: {  	_ =	task.clear_ibuf [dreg:s6], $0x2FFFF;
	_ =	strace $0x9FFFFFFF  }
0xc2: {  	(tm) =	ssettm $0x7FFFFFFF  }
0xc3: {  	_ =	shalt  }
tec
execute0_lowered:
.L_overlay_start_1:
0x0: {  	(tag) =	ssettag $0x1  }
0x1: {  	s0 =	srdreg.scid  }
0x2: {  	s6 =	rddreg [dreg:$0x0];
	s25 =	stileid.u32  }
0x3: {  	s2 =	rddreg [dreg:$0x1];
	s3 =	simm.s32 $0x0;
	s18 =	simm.s32 $0x3  }
0x4: {  	s19 =	simm.s32 $0x2900;
	s20 =	simm.s32 $0x1;
	s21 =	simm.s32 $0x4  }
0x5: {  	s22 =	simm.s32 $0x80;
	s23 =	simm.s32 $0x6900;
	s24 =	simm.s32 $0x2  }
0x6: {  	s28 =	simm.s32 $0x0;
	s8 =	sand.u32 $0x1, s0;
	s7 =	smul.u32 $0x13C00, s25  }
0x7: {  	[smem:$0x7FF] =	sst s3;
	s5 =	sadd.s32 $0xDA00, s6;
	s26 =	smul.u32 $0x4F000, s25  }
0x8: {  	s31 =	sshll.u32 s25, $0x6;
	s17 =	smul.u32 $0x500, s25;
	s1 =	sshll.u32 s8, $0x4  }
0x9: {  	_ =	strace $0x8000004A;
	s10 =	smul.u32 $0x13C000, s8;
	s13 =	ssub.s32 $0x2, s8  }
0xa: {  	s16 =	smul.u32 $0x5000, s8;
	s4 =	sor.u32 s25, s1;
	s12 =	sshrl.u32 s7, $0x3  }
0xb: {  	s29 =	sshrl.u32 s13, $0x1;
	s30 =	sshrl.u32 s26, $0x2;
	s26 =	simm.s32 $0x2780  }
0xc: {  	s9 =	smul.u32 $0x500, s4;
	s4 =	sadd.s32 $0x3F200, s6;
	s7 =	sadd.s32 s7, s10  }
0xd: {  	s12 =	sadd.s32 s12, s6;
	s13 =	ssub.s32 s13, s29;
	s7 =	sshrl.u32 s7, $0x3  }
0xe: {  	s15 =	sadd.s32 s30, s2;
	s11 =	sadd.s32 s9, s6;
	s14 =	sadd.s32 s7, s6  }
0xf: {  	s6 =	sadd.s32 $0x17A00, s12;
	s7 =	sor.u32 $0x1C05, s31;
	s9 =	sadd.s32 s5, s9  }
0x10: {  	s12 =	smax.u32 s13, $0x1;
	s13 =	sadd.s32 s17, s16;
	s16 =	simm.s32 $0x2800  }
0x11: {  	s17 =	simm.s32 $0x2880;
	s8 =	sadd.s32 $0x3A00, s11;
	s10 =	sadd.s32 $0x10, s9  }
0x12: {  	s11 =	sadd.s32 $0x66400, s14;
	s14 =	sshrl.u32 s15, $0x3;
	s15 =	simm.s32 $0x5  }
.LBB2_1:
0x13: {  	[spmem:s14], [sflag:s7] =	dma.local [hbm:s6], $0x2780  }
0x14: {  	_ =	swait.ge [sflag:s15], $0x2780  }
0x15: {  	[sflag:s15] =	ssyncset.done $0x0  }
0x16: {  	[sflag:s15] =	ssyncadd.s32 $0xFFFFD880  }
0x17: {  	[tilespmem:s3], [sflag:$0x5] =	stream.linear.gather [hbm4b:s8+s3], $0x2800, $0x38;
	[tilespmem:$0x1E500] =	vst v63  }
0x18: {  	_ =	swait.ge [sflag:s15], $0x2800  }
0x19: {  	[sflag:s15] =	ssyncset.done $0x0  }
0x1a: {  	[sflag:s15] =	ssyncadd.s32 $0xFFFFD800  }
0x1b: {  	[bflag:$0x0] =	sbarrier.arrive $0xFFFF  }
0x1c: {  	[tilespmem:s16], [sflag:$0x3] =	stream.linear.gather [hbm4b:s9+s3], $0x80, $0x38;
	[tilespmem:$0x1E500] =	vst v63  }
0x1d: {  	_ = 	snop  }
0x1e: {  	[tilespmem:s17], [sflag:$0x4] =	stream.linear.gather [hbm4b:s10+s3], $0x80, $0x38;
	[tilespmem:$0x1E500] =	vst v63  }
0x1f: {  	_ =	swait.ge [sflag:s18], $0x80  }
0x20: {  	[sflag:s18] =	ssyncset.done $0x0  }
0x21: {  	[sflag:s18] =	ssyncadd.s32 $0xFFFFFF80  }
0x22: {  	[tilespmem:s19], [sflag:$0x1] =	stream.indirect.gather [hbm4b:s4+s22], $0x80, s16, s22, $0xb8;
	[tilespmem:$0x1E500] =	vst v63  }
0x23: {  	_ =	swait.ge [sflag:s20], $0x4000  }
0x24: {  	[sflag:s20] =	ssyncset.done $0x0  }
0x25: {  	[sflag:s20] =	ssyncadd.s32 $0xFFFFC000  }
0x26: {  	_ =	swait.ge [sflag:s21], $0x80  }
0x27: {  	[sflag:s21] =	ssyncset.done $0x0  }
0x28: {  	[sflag:s21] =	ssyncadd.s32 $0xFFFFFF80  }
0x29: {  	[tilespmem:s23], [sflag:$0x2] =	stream.indirect.gather [hbm4b:s4+s22], $0x80, s17, s22, $0xb8;
	[tilespmem:$0x1E500] =	vst v63  }
0x2a: {  	s29 =	simm.s32 $0x0;
	s30 =	sadd.s32 $0x30, s13;
	s31 =	simm.s32 $0x20  }
0x2b: {  	[spmem:s2] =	stream.indirect.scatter.add.f32 [tilespmem:s19], [sflag:$0x5], $0x80, s29, s22, $0xb8;
	[tilespmem:$0x1E500] =	vst v63  }
0x2c: {  	s31 =	sand.u32 $0x60, s31;
	s29 =	sadd.s32 $0xFFFFFFF0, s30;
	_ =	swait.ge [sflag:s15], $0x4000  }
0x2d: {  	s31 =	sadd.s32 s5, s31;
	s29 =	sand.u32 $0xFFFFF80, s29;
	[sflag:s15] =	ssyncset.done $0x0  }
0x2e: {  	s29 =	sadd.s32 s29, s31;
	[sflag:s15] =	ssyncadd.s32 $0xFFFFC000  }
0x2f: {  	[tilespmem:s16], [sflag:$0x3] =	stream.linear.gather [hbm4b:s29+s3], $0x80, $0x38;
	[tilespmem:$0x1E500] =	vst v63  }
0x30: {  	_ =	swait.ge [sflag:s24], $0x4000  }
0x31: {  	[sflag:s24] =	ssyncset.done $0x0  }
0x32: {  	[sflag:s24] =	ssyncadd.s32 $0xFFFFC000  }
0x33: {  	_ =	swait.ge [sflag:s18], $0x80  }
0x34: {  	[sflag:s18] =	ssyncset.done $0x0  }
0x35: {  	[sflag:s18] =	ssyncadd.s32 $0xFFFFFF80  }
0x36: {  	[tilespmem:s19], [sflag:$0x1] =	stream.indirect.gather [hbm4b:s4+s22], $0x80, s16, s22, $0xb8;
	[tilespmem:$0x1E500] =	vst v63  }
0x37: {  	s31 =	simm.s32 $0x30  }
0x38: {  	[spmem:s2] =	stream.indirect.scatter.add.f32 [tilespmem:s23], [sflag:$0x5], $0x80, s22, s22, $0xb8;
	[tilespmem:$0x1E500] =	vst v63  }
0x39: {  	s30 =	sand.u32 $0xFFFFF80, s30;
	s31 =	sand.u32 $0x70, s31;
	_ =	swait.ge [sflag:s15], $0x4000  }
0x3a: {  	s29 =	simm.s32 $0x50;
	s31 =	sadd.s32 s5, s31;
	[sflag:s15] =	ssyncset.done $0x0  }
0x3b: {  	s31 =	sadd.s32 s30, s31;
	s30 =	simm.s32 $0x180;
	[sflag:s15] =	ssyncadd.s32 $0xFFFFC000  }
.LBB2_2:
0x3c: {  	[tilespmem:s17], [sflag:$0x4] =	stream.linear.gather [hbm4b:s31+s3], $0x80, $0x38;
	[tilespmem:$0x1E500] =	vst v63  }
0x3d: {  	s31 =	smov.u32 s29  }
0x3e: {  	p0 =	sne.s32 s29, $0x4F0;
	s29 =	sadd.s32 $0x20, s29;
	_ =	swait.ge [sflag:s20], $0x4000  }
0x3f: {  	[sflag:s20] =	ssyncset.done $0x0  }
0x40: {  	[sflag:s20] =	ssyncadd.s32 $0xFFFFC000  }
0x41: {  	_ =	swait.ge [sflag:s21], $0x80  }
0x42: {  	[sflag:s21] =	ssyncset.done $0x0  }
0x43: {  	[sflag:s21] =	ssyncadd.s32 $0xFFFFFF80  }
0x44: {  	[tilespmem:s23], [sflag:$0x2] =	stream.indirect.gather [hbm4b:s4+s22], $0x80, s17, s22, $0xb8;
	[tilespmem:$0x1E500] =	vst v63  }
0x45: {  	s1 =	sadd.s32 $0xFFFFFF80, s30;
	s0 =	sadd.s32 s31, s13;
	s25 =	sadd.s32 $0xFFFFFFF0, s31  }
0x46: {  	[spmem:s2] =	stream.indirect.scatter.add.f32 [tilespmem:s19], [sflag:$0x5], $0x80, s1, s22, $0xb8;
	[tilespmem:$0x1E500] =	vst v63  }
0x47: {  	s25 =	sand.u32 $0x60, s25;
	s1 =	sadd.s32 $0xFFFFFFF0, s0;
	_ =	swait.ge [sflag:s15], $0x4000  }
0x48: {  	s25 =	sadd.s32 s5, s25;
	s1 =	sand.u32 $0xFFFFF80, s1;
	[sflag:s15] =	ssyncset.done $0x0  }
0x49: {  	s0 =	sand.u32 $0xFFFFF80, s0;
	s1 =	sadd.s32 s1, s25;
	[sflag:s15] =	ssyncadd.s32 $0xFFFFC000  }
0x4a: {  	[tilespmem:s16], [sflag:$0x3] =	stream.linear.gather [hbm4b:s1+s3], $0x80, $0x38;
	[tilespmem:$0x1E500] =	vst v63  }
0x4b: {  	_ =	swait.ge [sflag:s24], $0x4000  }
0x4c: {  	[sflag:s24] =	ssyncset.done $0x0  }
0x4d: {  	[sflag:s24] =	ssyncadd.s32 $0xFFFFC000  }
0x4e: {  	_ =	swait.ge [sflag:s18], $0x80  }
0x4f: {  	[sflag:s18] =	ssyncset.done $0x0  }
0x50: {  	[sflag:s18] =	ssyncadd.s32 $0xFFFFFF80  }
0x51: {  	[tilespmem:s19], [sflag:$0x1] =	stream.indirect.gather [hbm4b:s4+s22], $0x80, s16, s22, $0xb8;
	[tilespmem:$0x1E500] =	vst v63  }
.Ltmp0:
0x52: {  	(pc) =	sbr.rel @p0 .LBB2_2-.Ltmp0, $4  }
0x53: {  	[spmem:s2] =	stream.indirect.scatter.add.f32 [tilespmem:s23], [sflag:$0x5], $0x80, s30, s22, $0xb8;
	[tilespmem:$0x1E500] =	vst v63  }
0x54: {  	s1 =	sand.u32 $0x70, s31;
	_ =	swait.ge [sflag:s15], $0x4000  }
0x55: {  	s1 =	sadd.s32 s5, s1;
	[sflag:s15] =	ssyncset.done $0x0  }
0x56: {  	s31 =	sadd.s32 s0, s1;
	s30 =	sadd.s32 $0x100, s30;
	[sflag:s15] =	ssyncadd.s32 $0xFFFFC000  }
0x57: {  	[tilespmem:s17], [sflag:$0x4] =	stream.linear.gather [hbm4b:s31+s3], $0x80, $0x38;
	[tilespmem:$0x1E500] =	vst v63  }
0x58: {  	_ =	swait.ge [sflag:s20], $0x4000  }
0x59: {  	[sflag:s20] =	ssyncset.done $0x0  }
0x5a: {  	[sflag:s20] =	ssyncadd.s32 $0xFFFFC000  }
0x5b: {  	_ =	swait.ge [sflag:s21], $0x80  }
0x5c: {  	[sflag:s21] =	ssyncset.done $0x0  }
0x5d: {  	[sflag:s21] =	ssyncadd.s32 $0xFFFFFF80  }
0x5e: {  	[tilespmem:s23], [sflag:$0x2] =	stream.indirect.gather [hbm4b:s4+s22], $0x80, s17, s22, $0xb8;
	[tilespmem:$0x1E500] =	vst v63  }
0x5f: {  	s0 =	simm.s32 $0x2700  }
0x60: {  	[spmem:s2] =	stream.indirect.scatter.add.f32 [tilespmem:s19], [sflag:$0x5], $0x80, s0, s22, $0xb8;
	[tilespmem:$0x1E500] =	vst v63  }
0x61: {  	_ =	swait.ge [sflag:s15], $0x4000  }
0x62: {  	[sflag:s15] =	ssyncset.done $0x0  }
0x63: {  	[sflag:s15] =	ssyncadd.s32 $0xFFFFC000  }
0x64: {  	_ =	swait.ge [sflag:s24], $0x4000  }
0x65: {  	[sflag:s24] =	ssyncset.done $0x0  }
0x66: {  	[sflag:s24] =	ssyncadd.s32 $0xFFFFC000  }
0x67: {  	[spmem:s2] =	stream.indirect.scatter.add.f32 [tilespmem:s23], [sflag:$0x5], $0x80, s26, s22, $0xb8;
	[tilespmem:$0x1E500] =	vst v63  }
0x68: {  	_ =	swait.ge [sflag:s15], $0x4000  }
0x69: {  	s28 =	sadd.s32 $0x1, s28;
	[sflag:s15] =	ssyncset.done $0x0  }
0x6a: {  	p0 =	sne.s32 s28, s12;
	[sflag:s15] =	ssyncadd.s32 $0xFFFFC000  }
.Ltmp1:
0x6b: {  	[bflag:$0x0] =	sbarrier.arrive $0xFFFF;
	(pc) =	sbr.rel @p0 .LBB2_1-.Ltmp1, $4  }
0x6c: {  	[hbm:s11], [sflag:s7] =	dma.local [spmem:s14], $0x2780  }
0x6d: {  	_ =	swait.ge [sflag:s15], $0x2780  }
0x6e: {  	[sflag:s15] =	ssyncset.done $0x0  }
0x6f: {  	[sflag:s15] =	ssyncadd.s32 $0xFFFFD880  }
0x70: {  	_ =	sfence.sel $0x180000  }
0x71: {  	[bflag:$0x0] =	sbarrier.arrive $0xFFFF  }
0x72: {  	_ =	strace $0x9000004A  }
0x73: {  	s0 =	stileid.u32;
	[bflag:$0x2] =	sbarrier.arrive $0xFFFF  }
0x74: {  	p0 =	sne.s32 s0, $0x0;
	s0 =	rddreg [dreg:$0x2]  }
0x75: {  	s0 =	sadd.s32 @!p0 $0x100000, s0  }
0x76: {  	[sflag:s0] =	ssyncadd.tile.s32 @!p0 $0x1;
	_ =	shalt  }
.Lfunc_end2:
_tile_overlayer_lowered:
.L_overlay_start_2:
0x77: {  	(tag) =	ssettag $0x2  }
0x78: {  	s0 =	rddreg [dreg:$0x0];
	s2 =	stileid.u32  }
0x79: {  	s1 =	rddreg [dreg:$0x1];
	p0 =	sne.s32 s2, $0x0  }
0x7a: {  	s3 =	rddreg [dreg:$0x2];
	[bflag:$0x3] =	sbarrier.arrive $0xFFFF;
	s2 =	simm.s32 @!p0 $0x1C05  }
0x7b: {  	[timem:s3], [sflag:s2] =	dma.local @!p0 [hbm:s0], s1  }
0x7c: {  	s0 =	simm.s32 @!p0 $0x5  }
0x7d: {  	_ =	swait.ge @!p0 [sflag:s0], s1  }
0x7e: {  	s1 =	ssub.s32 @!p0 $0x0, s1;
	[sflag:s0] =	ssyncset.done @!p0 $0x0  }
0x7f: {  	[sflag:s0] =	ssyncadd.s32 @!p0 s1  }
0x80: {  	[bflag:$0x3] =	sbarrier.arrive $0xFFFF  }
0x81: {  	_ =	shalt  }

// kernel: kernel.16.cloned.1.call-start
scs
__scs_entry_jumppad:
0x0: {  	(pc) =	sbr.rel $0x88, $3  }
0x1: {  	(tag) =	ssettag $0x0;
	lr =	simm.s32 $0x1  }
0x2: {  	[smem:$0x3F92] =	sst lr;
	_ =	strace $0xD0000000  }
0x3: {  	_ = 	snop  }
0x4: {  	_ = 	snop  }
0x5: {  	_ = 	snop  }
0x6: {  	_ = 	snop  }
0x7: {  	_ = 	snop  }
__scs_overlays_trampoline_lowered:
0x8: {  	[smem:$0x3FA1] =	sst s0  }
0x9: {  	[smem:$0x3FA2] =	sst s1  }
0xa: {  	[smem:$0x3FA3] =	sst s2  }
0xb: {  	[smem:$0x3FA4] =	sst s3  }
0xc: {  	[smem:$0x3FA5] =	sst s4  }
0xd: {  	[smem:$0x3FA6] =	sst s5  }
0xe: {  	[smem:$0x3FA7] =	sst s6  }
0xf: {  	[smem:$0x3FA8] =	sst s7  }
0x10: {  	[smem:$0x3FA9] =	sst s8  }
0x11: {  	[smem:$0x3FAA] =	sst s9;
	s0 =	simm.s32 @!p0 $0x0  }
0x12: {  	s1 =	sld [smem:$0x3F90];
	s0 =	simm.s32 @p0 $0x1  }
0x13: {  	[smem:$0x3FAB] =	sst s0;
	s0 =	simm.s32 @!p1 $0x0  }
0x14: {  	s2 =	sld [smem:$0x3F8F];
	s0 =	simm.s32 @p1 $0x1  }
0x15: {  	[smem:$0x3FAC] =	sst s0;
	s0 =	simm.s32 @!p2 $0x0  }
0x16: {  	s3 =	sld [smem:$0x3FDB];
	s0 =	simm.s32 @p2 $0x1  }
0x17: {  	s4 =	simm.s32 $0x1BF5;
	[smem:$0x3FAE] =	sst s0  }
0x18: {  	s0 =	sld [smem:$0x3F91];
	_ =	swait.ge [sflag:s4], $0x0  }
0x19: {  	s7 =	sld [smem:$0x3F92]  }
0x1a: {  	s8 =	sadd.s32 $0xFFFFE003, lr  }
0x1b: {  	s9 =	sadd.s32 $0xFFFFFEF7, lr;
	s5 =	simm.s32 $0xFFFFFFFF;
	p2 =	slt.u32 s8, $0xFFFFF086  }
0x1c: {  	p1 =	slt.u32 s9, $0xF7A;
	s5 =	simm.s32 @!p2 $0x0  }
0x1d: {  	s5 =	simm.s32 @p1 $0x1;
	p0 =	seq.s32 s7, s2  }
0x1e: {  	s7 =	smul.u32 @!p0 $0xF7A, s2;
	p2 =	seq.s32 @!p0 s5, $0x0  }
0x1f: {  	s9 =	smul.u32 $0xF7A, s1;
	s8 =	simm.s32 @!p0 $0x1BF5;
	p2 =	por !p2, p0  }
0x20: {  	[sflag:s8] =	ssyncset.s32 @!p0 $0xFFFFF086;
	s6 =	sadd.s32 @!p0 s3, s7;
	s7 =	simm.s32 @!p0 $0x108  }
0x21: {  	s3 =	sadd.s32 s3, s9;
	s6 =	sadd.s32 @!p0 $0x88, s6;
	s7 =	simm.s32 @p2 $0x1082  }
0x22: {  	[simem:s7], [sflag:s8] =	dma.local @!p0 [hbm:s6], $0xF7A  }
0x23: {  	s9 =	sor.u32 $0xD0000000, s2;
	s6 =	simm.s32 $0x108;
	_ =	swait.ge @!p0 [sflag:s8], $0x0  }
0x24: {  	s3 =	sadd.s32 $0x88, s3;
	s6 =	simm.s32 @!p1 $0x1082;
	[sflag:s4] =	ssyncset.s32 $0xFFFFF086  }
0x25: {  	[simem:s6], [sflag:s4] =	dma.local [hbm:s3], $0xF7A  }
0x26: {  	[smem:$0x3F92] =	sst s1;
	(tag) =	ssettag s2;
	_ =	strace s9  }
0x27: {  	s1 =	sld [smem:$0x3FA2]  }
0x28: {  	s2 =	sld [smem:$0x3FA3]  }
0x29: {  	s4 =	sld [smem:$0x3FA5]  }
0x2a: {  	p0 =	seq.s32 s5, $0x0;
	s5 =	sld [smem:$0x3FA6]  }
0x2b: {  	s6 =	sld [smem:$0x3FA7]  }
0x2c: {  	s7 =	sld [smem:$0x3FA8]  }
0x2d: {  	s3 =	simm.s32 $0x108;
	s8 =	sld [smem:$0x3FA9]  }
0x2e: {  	s3 =	simm.s32 @!p0 $0x1082;
	s9 =	sld [smem:$0x3FAA]  }
0x2f: {  	lr =	sadd.s32 s0, s3;
	s0 =	sld [smem:$0x3FA1]  }
0x30: {  	s3 =	sld [smem:$0x3FA4]  }
0x31: {  	[smem:$0x3FAD] =	sst s10  }
0x32: {  	s10 =	sld [smem:$0x3FAB];
	_ =	sdelay $0x3  }
0x33: {  	p0 =	seq.s32 s10, $0x1;
	s10 =	sld [smem:$0x3FAD];
	_ =	sdelay $0x3  }
0x34: {  	[smem:$0x3FAD] =	sst s10  }
0x35: {  	s10 =	sld [smem:$0x3FAC];
	_ =	sdelay $0x3  }
0x36: {  	p1 =	seq.s32 s10, $0x1;
	s10 =	sld [smem:$0x3FAD];
	_ =	sdelay $0x3  }
0x37: {  	[smem:$0x3FAD] =	sst s10  }
0x38: {  	s10 =	sld [smem:$0x3FAE]  }
0x39: {  	_ = 	snop;
	(pc) =	sbr.ind lr, $3  }
0x3a: {  	_ = 	snop  }
0x3b: {  	_ = 	snop  }
0x3c: {  	p2 =	seq.s32 s10, $0x1;
	s10 =	sld [smem:$0x3FAD]  }
0x3d: {  	_ =	shalt  }
0x3e: {  	_ =	shalt  }
0x3f: {  	_ =	shalt  }
0x40: {  	_ =	shalt  }
0x41: {  	_ =	shalt  }
0x42: {  	_ =	shalt  }
0x43: {  	_ =	shalt  }
0x44: {  	_ =	shalt  }
0x45: {  	_ =	shalt  }
0x46: {  	_ =	shalt  }
0x47: {  	_ =	shalt  }
0x48: {  	_ =	shalt  }
0x49: {  	_ =	shalt  }
0x4a: {  	_ =	shalt  }
0x4b: {  	_ =	shalt  }
0x4c: {  	_ =	shalt  }
0x4d: {  	_ =	shalt  }
0x4e: {  	_ =	shalt  }
0x4f: {  	_ =	shalt  }
0x50: {  	_ =	shalt  }
0x51: {  	_ =	shalt  }
0x52: {  	_ =	shalt  }
0x53: {  	_ =	shalt  }
0x54: {  	_ =	shalt  }
0x55: {  	_ =	shalt  }
0x56: {  	_ =	shalt  }
0x57: {  	_ =	shalt  }
0x58: {  	_ =	shalt  }
0x59: {  	_ =	shalt  }
0x5a: {  	_ =	shalt  }
0x5b: {  	_ =	shalt  }
0x5c: {  	_ =	shalt  }
0x5d: {  	_ =	shalt  }
0x5e: {  	_ =	shalt  }
0x5f: {  	_ =	shalt  }
0x60: {  	_ =	shalt  }
0x61: {  	_ =	shalt  }
0x62: {  	_ =	shalt  }
0x63: {  	_ =	shalt  }
0x64: {  	_ =	shalt  }
0x65: {  	_ =	shalt  }
0x66: {  	_ =	shalt  }
0x67: {  	_ =	shalt  }
0x68: {  	_ =	shalt  }
0x69: {  	_ =	shalt  }
0x6a: {  	_ =	shalt  }
0x6b: {  	_ =	shalt  }
0x6c: {  	_ =	shalt  }
0x6d: {  	_ =	shalt  }
0x6e: {  	_ =	shalt  }
0x6f: {  	_ =	shalt  }
0x70: {  	_ =	shalt  }
0x71: {  	_ =	shalt  }
0x72: {  	_ =	shalt  }
0x73: {  	_ =	shalt  }
0x74: {  	_ =	shalt  }
0x75: {  	_ =	shalt  }
0x76: {  	_ =	shalt  }
0x77: {  	_ =	shalt  }
0x78: {  	_ =	shalt  }
0x79: {  	_ =	shalt  }
0x7a: {  	_ =	shalt  }
0x7b: {  	_ =	shalt  }
0x7c: {  	_ =	shalt  }
0x7d: {  	_ =	shalt  }
0x7e: {  	_ =	shalt  }
0x7f: {  	_ =	shalt  }
0x80: {  	_ =	shalt  }
0x81: {  	_ =	shalt  }
0x82: {  	_ =	shalt  }
0x83: {  	_ =	shalt  }
0x84: {  	_ =	shalt  }
0x85: {  	_ =	shalt  }
0x86: {  	_ =	shalt  }
0x87: {  	_ =	shalt  }
.Lfunc_end0:
.L_simem_size_0:
called_computation.2_lowered:
.L_overlay_start_0:
0x88: {  	s2 =	sld [smem:$0x3FD9]  }
0x89: {  	s3 =	sld [smem:$0x3FFE];
	_ =	sdelay $0x1  }
0x8a: {  	s1 =	srdreg.scid  }
0x8b: {  	s0 =	sand.u32 $0x1, s1  }
0x8c: {  	s16 =	sshll.u32 s0, $0xA;
	s2 =	sadd.s32 s3, s2  }
0x8d: {  	s2 =	sadd.s32 s2, s16  }
0x8e: {  	[smem:$0x3FB9] =	sst s2  }
0x8f: {  	_ = 	snop  }
0x90: {  	(tm) =	ssettm $0x1  }
0x91: {  	s17 =	sld [smem:$0x3FFB];
	_ =	sdelay $0x3  }
0x92: {  	_ =	strace s17  }
0x93: {  	s2 =	sld [smem:$0x3FFC];
	_ =	sdelay $0x3  }
0x94: {  	_ =	strace s2  }
0x95: {  	s2 =	sld [smem:$0x3FFD];
	_ =	sdelay $0x3  }
0x96: {  	_ =	strace s2  }
0x97: {  	_ =	strace $0x8FFFFFFF  }
0x98: {  	s18 =	sld [smem:$0x3FDB];
	_ =	sdelay $0x1  }
0x99: {  	s19 =	simm.s32 $_scs_section_size  }
0x9a: {  	s4 =	simm.s32 $_size__tile_overlayer_lowered;
	s5 =	simm.s32 $_tile_overlayer_lowered  }
0x9b: {  	s22 =	simm.s32 $0x1BFF;
	s21 =	sshll.u32 s5, $0x1;
	s2 =	sadd.s32 s19, s18  }
0x9c: {  	s6 =	simm.s32 $0x0;
	s20 =	sshll.u32 s4, $0x1;
	s4 =	sadd.s32 s21, s2  }
0x9d: {  	[timem:s6], [sflag:s22] =	dma.local [hbm:s4], s20  }
0x9e: {  	_ =	swait.ge [sflag:s22], s20  }
0x9f: {  	s3 =	ssub.s32 $0x0, s20;
	[sflag:s22] =	ssyncset.done $0x0  }
0xa0: {  	[sflag:s22] =	ssyncadd.s32 s3;
	_ =	sdelay $0x1  }
0xa1: {  	s23 =	simm.s32 $0x1B8B  }
0xa2: {  	_ =	swait.ge [sflag:s23], $0x1  }
0xa3: {  	[sflag:s23] =	ssyncset.done $0x0  }
0xa4: {  	s25 =	simm.s32 $0x1B8E;
	s24 =	sld [smem:$0x3FFE];
	[sflag:s23] =	ssyncadd.s32 $0xFFFFFFFF  }
0xa5: {  	s26 =	simm.s32 $execute0_lowered;
	[smem:$0x3FD2] =	sst s25  }
0xa6: {  	s4 =	sshll.u32 s26, $0x1;
	_ =	strace $0x8000004C;
	[dreg:$0x1] =	wrdreg $0xFFFFFFFF  }
0xa7: {  	s28 =	simm.s32 $_size_execute0_lowered;
	s2 =	sadd.s32 s2, s4;
	[dreg:$0x0] =	wrdreg $0x0  }
0xa8: {  	s4 =	sshll.u32 s28, $0x1;
	[dreg:$0x2] =	wrdreg s2  }
0xa9: {  	[dreg:$0x3] =	wrdreg s4  }
0xaa: {  	[dreg:$0x4] =	wrdreg $0xC0  }
0xab: {  	_ =	task [dreg:s6], $0x5FFFF  }
0xac: {  	[dreg:$0x1] =	wrdreg $0xFFFFFFFF  }
0xad: {  	[dreg:$0x0] =	wrdreg $0x60  }
0xae: {  	[dreg:$0x2] =	wrdreg s24  }
0xaf: {  	[dreg:$0x3] =	wrdreg $0xA9000  }
0xb0: {  	[dreg:$0x4] =	wrdreg $0x9  }
0xb1: {  	_ =	task.clear_ibuf [dreg:s6], $0x5FFFF;
	_ =	strace $0x9000004C  }
0xb2: {  	s29 =	simm.s32 $0x9;
	_ =	strace $0x8000004E  }
0xb3: {  	_ =	swait.ge [sflag:s29], $0x1  }
0xb4: {  	[sflag:s29] =	ssyncadd.s32 $0xFFFFFFFF  }
0xb5: {  	_ =	strace $0x9000004E  }
0xb6: {  	_ =	sfence  }
0xb7: {  	s30 =	sld [smem:$0x0];
	_ =	sdelay $0x2  }
0xb8: {  	s31 =	sshll.u32 s1, $0xD;
	s1 =	sshrl.u32 s1, $0x2  }
0xb9: {  	s3 =	sand.u32 $0x4000, s31;
	s1 =	sadd.s32 s1, s30  }
0xba: {  	s0 =	sor.u32 s3, s0;
	s1 =	sshll.u32 s1, $0x11  }
0xbb: {  	s0 =	sor.u32 s1, s0  }
0xbc: {  	s0 =	sadd.s32 $0x8F2B, s0  }
0xbd: {  	[sflag:s0] =	ssyncadd.remote.s32 $0x1  }
0xbe: {  	_ =	sfence.sel $0xFFFF  }
0xbf: {  	[dreg:$0x0] =	wrdreg $0xFFFFFFFF;
	(pc) =	sbr.abs _section_cstart, $3  }
0xc0: {  	[dreg:$0x1] =	wrdreg $0xFFFFFFFF  }
0xc1: {  	_ =	task.clear_ibuf [dreg:s6], $0x2FFFF;
	_ =	strace $0x9FFFFFFF  }
0xc2: {  	(tm) =	ssettm $0x7FFFFFFF  }
0xc3: {  	_ =	shalt  }
tec
execute0_lowered:
.L_overlay_start_1:
0x0: {  	(tag) =	ssettag $0x1  }
0x1: {  	s0 =	srdreg.scid  }
0x2: {  	s6 =	rddreg [dreg:$0x0];
	s25 =	stileid.u32  }
0x3: {  	s2 =	rddreg [dreg:$0x1];
	s3 =	simm.s32 $0x0;
	s18 =	simm.s32 $0x3  }
0x4: {  	s19 =	simm.s32 $0x2900;
	s20 =	simm.s32 $0x1;
	s21 =	simm.s32 $0x4  }
0x5: {  	s22 =	simm.s32 $0x80;
	s23 =	simm.s32 $0x6900;
	s24 =	simm.s32 $0x2  }
0x6: {  	s28 =	simm.s32 $0x0;
	s8 =	sand.u32 $0x1, s0;
	s7 =	smul.u32 $0x13C00, s25  }
0x7: {  	[smem:$0x7FF] =	sst s3;
	s5 =	sadd.s32 $0xDA00, s6;
	s26 =	smul.u32 $0x4F000, s25  }
0x8: {  	s31 =	sshll.u32 s25, $0x6;
	s17 =	smul.u32 $0x500, s25;
	s1 =	sshll.u32 s8, $0x4  }
0x9: {  	_ =	strace $0x8000004D;
	s10 =	smul.u32 $0x13C000, s8;
	s13 =	ssub.s32 $0x2, s8  }
0xa: {  	s16 =	smul.u32 $0x5000, s8;
	s4 =	sor.u32 s25, s1;
	s12 =	sshrl.u32 s7, $0x3  }
0xb: {  	s29 =	sshrl.u32 s13, $0x1;
	s30 =	sshrl.u32 s26, $0x2;
	s26 =	simm.s32 $0x2780  }
0xc: {  	s9 =	smul.u32 $0x500, s4;
	s4 =	sadd.s32 $0x3F200, s6;
	s7 =	sadd.s32 s7, s10  }
0xd: {  	s12 =	sadd.s32 s12, s6;
	s13 =	ssub.s32 s13, s29;
	s7 =	sshrl.u32 s7, $0x3  }
0xe: {  	s15 =	sadd.s32 s30, s2;
	s11 =	sadd.s32 s9, s6;
	s14 =	sadd.s32 s7, s6  }
0xf: {  	s6 =	sadd.s32 $0x17A00, s12;
	s7 =	sor.u32 $0x1C05, s31;
	s9 =	sadd.s32 s5, s9  }
0x10: {  	s12 =	smax.u32 s13, $0x1;
	s13 =	sadd.s32 s17, s16;
	s16 =	simm.s32 $0x2800  }
0x11: {  	s17 =	simm.s32 $0x2880;
	s8 =	sadd.s32 $0x3A00, s11;
	s10 =	sadd.s32 $0x10, s9  }
0x12: {  	s11 =	sadd.s32 $0x66400, s14;
	s14 =	sshrl.u32 s15, $0x3;
	s15 =	simm.s32 $0x5  }
.LBB2_1:
0x13: {  	[spmem:s14], [sflag:s7] =	dma.local [hbm:s6], $0x2780  }
0x14: {  	_ =	swait.ge [sflag:s15], $0x2780  }
0x15: {  	[sflag:s15] =	ssyncset.done $0x0  }
0x16: {  	[sflag:s15] =	ssyncadd.s32 $0xFFFFD880  }
0x17: {  	[tilespmem:s3], [sflag:$0x5] =	stream.linear.gather [hbm4b:s8+s3], $0x2800, $0x38;
	[tilespmem:$0x1E500] =	vst v63  }
0x18: {  	_ =	swait.ge [sflag:s15], $0x2800  }
0x19: {  	[sflag:s15] =	ssyncset.done $0x0  }
0x1a: {  	[sflag:s15] =	ssyncadd.s32 $0xFFFFD800  }
0x1b: {  	[bflag:$0x0] =	sbarrier.arrive $0xFFFF  }
0x1c: {  	[tilespmem:s16], [sflag:$0x3] =	stream.linear.gather [hbm4b:s9+s3], $0x80, $0x38;
	[tilespmem:$0x1E500] =	vst v63  }
0x1d: {  	_ = 	snop  }
0x1e: {  	[tilespmem:s17], [sflag:$0x4] =	stream.linear.gather [hbm4b:s10+s3], $0x80, $0x38;
	[tilespmem:$0x1E500] =	vst v63  }
0x1f: {  	_ =	swait.ge [sflag:s18], $0x80  }
0x20: {  	[sflag:s18] =	ssyncset.done $0x0  }
0x21: {  	[sflag:s18] =	ssyncadd.s32 $0xFFFFFF80  }
0x22: {  	[tilespmem:s19], [sflag:$0x1] =	stream.indirect.gather [hbm4b:s4+s22], $0x80, s16, s22, $0xb8;
	[tilespmem:$0x1E500] =	vst v63  }
0x23: {  	_ =	swait.ge [sflag:s20], $0x4000  }
0x24: {  	[sflag:s20] =	ssyncset.done $0x0  }
0x25: {  	[sflag:s20] =	ssyncadd.s32 $0xFFFFC000  }
0x26: {  	_ =	swait.ge [sflag:s21], $0x80  }
0x27: {  	[sflag:s21] =	ssyncset.done $0x0  }
0x28: {  	[sflag:s21] =	ssyncadd.s32 $0xFFFFFF80  }
0x29: {  	[tilespmem:s23], [sflag:$0x2] =	stream.indirect.gather [hbm4b:s4+s22], $0x80, s17, s22, $0xb8;
	[tilespmem:$0x1E500] =	vst v63  }
0x2a: {  	s29 =	simm.s32 $0x0;
	s30 =	sadd.s32 $0x30, s13;
	s31 =	simm.s32 $0x20  }
0x2b: {  	[spmem:s2] =	stream.indirect.scatter.add.f32 [tilespmem:s19], [sflag:$0x5], $0x80, s29, s22, $0xb8;
	[tilespmem:$0x1E500] =	vst v63  }
0x2c: {  	s31 =	sand.u32 $0x60, s31;
	s29 =	sadd.s32 $0xFFFFFFF0, s30;
	_ =	swait.ge [sflag:s15], $0x4000  }
0x2d: {  	s31 =	sadd.s32 s5, s31;
	s29 =	sand.u32 $0xFFFFF80, s29;
	[sflag:s15] =	ssyncset.done $0x0  }
0x2e: {  	s29 =	sadd.s32 s29, s31;
	[sflag:s15] =	ssyncadd.s32 $0xFFFFC000  }
0x2f: {  	[tilespmem:s16], [sflag:$0x3] =	stream.linear.gather [hbm4b:s29+s3], $0x80, $0x38;
	[tilespmem:$0x1E500] =	vst v63  }
0x30: {  	_ =	swait.ge [sflag:s24], $0x4000  }
0x31: {  	[sflag:s24] =	ssyncset.done $0x0  }
0x32: {  	[sflag:s24] =	ssyncadd.s32 $0xFFFFC000  }
0x33: {  	_ =	swait.ge [sflag:s18], $0x80  }
0x34: {  	[sflag:s18] =	ssyncset.done $0x0  }
0x35: {  	[sflag:s18] =	ssyncadd.s32 $0xFFFFFF80  }
0x36: {  	[tilespmem:s19], [sflag:$0x1] =	stream.indirect.gather [hbm4b:s4+s22], $0x80, s16, s22, $0xb8;
	[tilespmem:$0x1E500] =	vst v63  }
0x37: {  	s31 =	simm.s32 $0x30  }
0x38: {  	[spmem:s2] =	stream.indirect.scatter.add.f32 [tilespmem:s23], [sflag:$0x5], $0x80, s22, s22, $0xb8;
	[tilespmem:$0x1E500] =	vst v63  }
0x39: {  	s30 =	sand.u32 $0xFFFFF80, s30;
	s31 =	sand.u32 $0x70, s31;
	_ =	swait.ge [sflag:s15], $0x4000  }
0x3a: {  	s29 =	simm.s32 $0x50;
	s31 =	sadd.s32 s5, s31;
	[sflag:s15] =	ssyncset.done $0x0  }
0x3b: {  	s31 =	sadd.s32 s30, s31;
	s30 =	simm.s32 $0x180;
	[sflag:s15] =	ssyncadd.s32 $0xFFFFC000  }
.LBB2_2:
0x3c: {  	[tilespmem:s17], [sflag:$0x4] =	stream.linear.gather [hbm4b:s31+s3], $0x80, $0x38;
	[tilespmem:$0x1E500] =	vst v63  }
0x3d: {  	s31 =	smov.u32 s29  }
0x3e: {  	p0 =	sne.s32 s29, $0x4F0;
	s29 =	sadd.s32 $0x20, s29;
	_ =	swait.ge [sflag:s20], $0x4000  }
0x3f: {  	[sflag:s20] =	ssyncset.done $0x0  }
0x40: {  	[sflag:s20] =	ssyncadd.s32 $0xFFFFC000  }
0x41: {  	_ =	swait.ge [sflag:s21], $0x80  }
0x42: {  	[sflag:s21] =	ssyncset.done $0x0  }
0x43: {  	[sflag:s21] =	ssyncadd.s32 $0xFFFFFF80  }
0x44: {  	[tilespmem:s23], [sflag:$0x2] =	stream.indirect.gather [hbm4b:s4+s22], $0x80, s17, s22, $0xb8;
	[tilespmem:$0x1E500] =	vst v63  }
0x45: {  	s1 =	sadd.s32 $0xFFFFFF80, s30;
	s0 =	sadd.s32 s31, s13;
	s25 =	sadd.s32 $0xFFFFFFF0, s31  }
0x46: {  	[spmem:s2] =	stream.indirect.scatter.add.f32 [tilespmem:s19], [sflag:$0x5], $0x80, s1, s22, $0xb8;
	[tilespmem:$0x1E500] =	vst v63  }
0x47: {  	s25 =	sand.u32 $0x60, s25;
	s1 =	sadd.s32 $0xFFFFFFF0, s0;
	_ =	swait.ge [sflag:s15], $0x4000  }
0x48: {  	s25 =	sadd.s32 s5, s25;
	s1 =	sand.u32 $0xFFFFF80, s1;
	[sflag:s15] =	ssyncset.done $0x0  }
0x49: {  	s0 =	sand.u32 $0xFFFFF80, s0;
	s1 =	sadd.s32 s1, s25;
	[sflag:s15] =	ssyncadd.s32 $0xFFFFC000  }
0x4a: {  	[tilespmem:s16], [sflag:$0x3] =	stream.linear.gather [hbm4b:s1+s3], $0x80, $0x38;
	[tilespmem:$0x1E500] =	vst v63  }
0x4b: {  	_ =	swait.ge [sflag:s24], $0x4000  }
0x4c: {  	[sflag:s24] =	ssyncset.done $0x0  }
0x4d: {  	[sflag:s24] =	ssyncadd.s32 $0xFFFFC000  }
0x4e: {  	_ =	swait.ge [sflag:s18], $0x80  }
0x4f: {  	[sflag:s18] =	ssyncset.done $0x0  }
0x50: {  	[sflag:s18] =	ssyncadd.s32 $0xFFFFFF80  }
0x51: {  	[tilespmem:s19], [sflag:$0x1] =	stream.indirect.gather [hbm4b:s4+s22], $0x80, s16, s22, $0xb8;
	[tilespmem:$0x1E500] =	vst v63  }
.Ltmp0:
0x52: {  	(pc) =	sbr.rel @p0 .LBB2_2-.Ltmp0, $4  }
0x53: {  	[spmem:s2] =	stream.indirect.scatter.add.f32 [tilespmem:s23], [sflag:$0x5], $0x80, s30, s22, $0xb8;
	[tilespmem:$0x1E500] =	vst v63  }
0x54: {  	s1 =	sand.u32 $0x70, s31;
	_ =	swait.ge [sflag:s15], $0x4000  }
0x55: {  	s1 =	sadd.s32 s5, s1;
	[sflag:s15] =	ssyncset.done $0x0  }
0x56: {  	s31 =	sadd.s32 s0, s1;
	s30 =	sadd.s32 $0x100, s30;
	[sflag:s15] =	ssyncadd.s32 $0xFFFFC000  }
0x57: {  	[tilespmem:s17], [sflag:$0x4] =	stream.linear.gather [hbm4b:s31+s3], $0x80, $0x38;
	[tilespmem:$0x1E500] =	vst v63  }
0x58: {  	_ =	swait.ge [sflag:s20], $0x4000  }
0x59: {  	[sflag:s20] =	ssyncset.done $0x0  }
0x5a: {  	[sflag:s20] =	ssyncadd.s32 $0xFFFFC000  }
0x5b: {  	_ =	swait.ge [sflag:s21], $0x80  }
0x5c: {  	[sflag:s21] =	ssyncset.done $0x0  }
0x5d: {  	[sflag:s21] =	ssyncadd.s32 $0xFFFFFF80  }
0x5e: {  	[tilespmem:s23], [sflag:$0x2] =	stream.indirect.gather [hbm4b:s4+s22], $0x80, s17, s22, $0xb8;
	[tilespmem:$0x1E500] =	vst v63  }
0x5f: {  	s0 =	simm.s32 $0x2700  }
0x60: {  	[spmem:s2] =	stream.indirect.scatter.add.f32 [tilespmem:s19], [sflag:$0x5], $0x80, s0, s22, $0xb8;
	[tilespmem:$0x1E500] =	vst v63  }
0x61: {  	_ =	swait.ge [sflag:s15], $0x4000  }
0x62: {  	[sflag:s15] =	ssyncset.done $0x0  }
0x63: {  	[sflag:s15] =	ssyncadd.s32 $0xFFFFC000  }
0x64: {  	_ =	swait.ge [sflag:s24], $0x4000  }
0x65: {  	[sflag:s24] =	ssyncset.done $0x0  }
0x66: {  	[sflag:s24] =	ssyncadd.s32 $0xFFFFC000  }
0x67: {  	[spmem:s2] =	stream.indirect.scatter.add.f32 [tilespmem:s23], [sflag:$0x5], $0x80, s26, s22, $0xb8;
	[tilespmem:$0x1E500] =	vst v63  }
0x68: {  	_ =	swait.ge [sflag:s15], $0x4000  }
0x69: {  	s28 =	sadd.s32 $0x1, s28;
	[sflag:s15] =	ssyncset.done $0x0  }
0x6a: {  	p0 =	sne.s32 s28, s12;
	[sflag:s15] =	ssyncadd.s32 $0xFFFFC000  }
.Ltmp1:
0x6b: {  	[bflag:$0x0] =	sbarrier.arrive $0xFFFF;
	(pc) =	sbr.rel @p0 .LBB2_1-.Ltmp1, $4  }
0x6c: {  	[hbm:s11], [sflag:s7] =	dma.local [spmem:s14], $0x2780  }
0x6d: {  	_ =	swait.ge [sflag:s15], $0x2780  }
0x6e: {  	[sflag:s15] =	ssyncset.done $0x0  }
0x6f: {  	[sflag:s15] =	ssyncadd.s32 $0xFFFFD880  }
0x70: {  	_ =	sfence.sel $0x180000  }
0x71: {  	[bflag:$0x0] =	sbarrier.arrive $0xFFFF  }
0x72: {  	_ =	strace $0x9000004D  }
0x73: {  	s0 =	stileid.u32;
	[bflag:$0x2] =	sbarrier.arrive $0xFFFF  }
0x74: {  	p0 =	sne.s32 s0, $0x0;
	s0 =	rddreg [dreg:$0x2]  }
0x75: {  	s0 =	sadd.s32 @!p0 $0x100000, s0  }
0x76: {  	[sflag:s0] =	ssyncadd.tile.s32 @!p0 $0x1;
	_ =	shalt  }
.Lfunc_end2:
_tile_overlayer_lowered:
.L_overlay_start_2:
0x77: {  	(tag) =	ssettag $0x2  }
0x78: {  	s0 =	rddreg [dreg:$0x0];
	s2 =	stileid.u32  }
0x79: {  	s1 =	rddreg [dreg:$0x1];
	p0 =	sne.s32 s2, $0x0  }
0x7a: {  	s3 =	rddreg [dreg:$0x2];
	[bflag:$0x3] =	sbarrier.arrive $0xFFFF;
	s2 =	simm.s32 @!p0 $0x1C05  }
0x7b: {  	[timem:s3], [sflag:s2] =	dma.local @!p0 [hbm:s0], s1  }
0x7c: {  	s0 =	simm.s32 @!p0 $0x5  }
0x7d: {  	_ =	swait.ge @!p0 [sflag:s0], s1  }
0x7e: {  	s1 =	ssub.s32 @!p0 $0x0, s1;
	[sflag:s0] =	ssyncset.done @!p0 $0x0  }
0x7f: {  	[sflag:s0] =	ssyncadd.s32 @!p0 s1  }
0x80: {  	[bflag:$0x3] =	sbarrier.arrive $0xFFFF  }
0x81: {  	_ =	shalt  }

// kernel: kernel.19.cloned.1.call-start
scs
__scs_entry_jumppad:
0x0: {  	(pc) =	sbr.rel $0x88, $3  }
0x1: {  	(tag) =	ssettag $0x0;
	lr =	simm.s32 $0x1  }
0x2: {  	[smem:$0x3F92] =	sst lr;
	_ =	strace $0xD0000000  }
0x3: {  	_ = 	snop  }
0x4: {  	_ = 	snop  }
0x5: {  	_ = 	snop  }
0x6: {  	_ = 	snop  }
0x7: {  	_ = 	snop  }
__scs_overlays_trampoline_lowered:
0x8: {  	[smem:$0x3FA1] =	sst s0  }
0x9: {  	[smem:$0x3FA2] =	sst s1  }
0xa: {  	[smem:$0x3FA3] =	sst s2  }
0xb: {  	[smem:$0x3FA4] =	sst s3  }
0xc: {  	[smem:$0x3FA5] =	sst s4  }
0xd: {  	[smem:$0x3FA6] =	sst s5  }
0xe: {  	[smem:$0x3FA7] =	sst s6  }
0xf: {  	[smem:$0x3FA8] =	sst s7  }
0x10: {  	[smem:$0x3FA9] =	sst s8  }
0x11: {  	[smem:$0x3FAA] =	sst s9;
	s0 =	simm.s32 @!p0 $0x0  }
0x12: {  	s1 =	sld [smem:$0x3F90];
	s0 =	simm.s32 @p0 $0x1  }
0x13: {  	[smem:$0x3FAB] =	sst s0;
	s0 =	simm.s32 @!p1 $0x0  }
0x14: {  	s2 =	sld [smem:$0x3F8F];
	s0 =	simm.s32 @p1 $0x1  }
0x15: {  	[smem:$0x3FAC] =	sst s0;
	s0 =	simm.s32 @!p2 $0x0  }
0x16: {  	s3 =	sld [smem:$0x3FDB];
	s0 =	simm.s32 @p2 $0x1  }
0x17: {  	s4 =	simm.s32 $0x1BF5;
	[smem:$0x3FAE] =	sst s0  }
0x18: {  	s0 =	sld [smem:$0x3F91];
	_ =	swait.ge [sflag:s4], $0x0  }
0x19: {  	s7 =	sld [smem:$0x3F92]  }
0x1a: {  	s8 =	sadd.s32 $0xFFFFE003, lr  }
0x1b: {  	s9 =	sadd.s32 $0xFFFFFEF7, lr;
	s5 =	simm.s32 $0xFFFFFFFF;
	p2 =	slt.u32 s8, $0xFFFFF086  }
0x1c: {  	p1 =	slt.u32 s9, $0xF7A;
	s5 =	simm.s32 @!p2 $0x0  }
0x1d: {  	s5 =	simm.s32 @p1 $0x1;
	p0 =	seq.s32 s7, s2  }
0x1e: {  	s7 =	smul.u32 @!p0 $0xF7A, s2;
	p2 =	seq.s32 @!p0 s5, $0x0  }
0x1f: {  	s9 =	smul.u32 $0xF7A, s1;
	s8 =	simm.s32 @!p0 $0x1BF5;
	p2 =	por !p2, p0  }
0x20: {  	[sflag:s8] =	ssyncset.s32 @!p0 $0xFFFFF086;
	s6 =	sadd.s32 @!p0 s3, s7;
	s7 =	simm.s32 @!p0 $0x108  }
0x21: {  	s3 =	sadd.s32 s3, s9;
	s6 =	sadd.s32 @!p0 $0x88, s6;
	s7 =	simm.s32 @p2 $0x1082  }
0x22: {  	[simem:s7], [sflag:s8] =	dma.local @!p0 [hbm:s6], $0xF7A  }
0x23: {  	s9 =	sor.u32 $0xD0000000, s2;
	s6 =	simm.s32 $0x108;
	_ =	swait.ge @!p0 [sflag:s8], $0x0  }
0x24: {  	s3 =	sadd.s32 $0x88, s3;
	s6 =	simm.s32 @!p1 $0x1082;
	[sflag:s4] =	ssyncset.s32 $0xFFFFF086  }
0x25: {  	[simem:s6], [sflag:s4] =	dma.local [hbm:s3], $0xF7A  }
0x26: {  	[smem:$0x3F92] =	sst s1;
	(tag) =	ssettag s2;
	_ =	strace s9  }
0x27: {  	s1 =	sld [smem:$0x3FA2]  }
0x28: {  	s2 =	sld [smem:$0x3FA3]  }
0x29: {  	s4 =	sld [smem:$0x3FA5]  }
0x2a: {  	p0 =	seq.s32 s5, $0x0;
	s5 =	sld [smem:$0x3FA6]  }
0x2b: {  	s6 =	sld [smem:$0x3FA7]  }
0x2c: {  	s7 =	sld [smem:$0x3FA8]  }
0x2d: {  	s3 =	simm.s32 $0x108;
	s8 =	sld [smem:$0x3FA9]  }
0x2e: {  	s3 =	simm.s32 @!p0 $0x1082;
	s9 =	sld [smem:$0x3FAA]  }
0x2f: {  	lr =	sadd.s32 s0, s3;
	s0 =	sld [smem:$0x3FA1]  }
0x30: {  	s3 =	sld [smem:$0x3FA4]  }
0x31: {  	[smem:$0x3FAD] =	sst s10  }
0x32: {  	s10 =	sld [smem:$0x3FAB];
	_ =	sdelay $0x3  }
0x33: {  	p0 =	seq.s32 s10, $0x1;
	s10 =	sld [smem:$0x3FAD];
	_ =	sdelay $0x3  }
0x34: {  	[smem:$0x3FAD] =	sst s10  }
0x35: {  	s10 =	sld [smem:$0x3FAC];
	_ =	sdelay $0x3  }
0x36: {  	p1 =	seq.s32 s10, $0x1;
	s10 =	sld [smem:$0x3FAD];
	_ =	sdelay $0x3  }
0x37: {  	[smem:$0x3FAD] =	sst s10  }
0x38: {  	s10 =	sld [smem:$0x3FAE]  }
0x39: {  	_ = 	snop;
	(pc) =	sbr.ind lr, $3  }
0x3a: {  	_ = 	snop  }
0x3b: {  	_ = 	snop  }
0x3c: {  	p2 =	seq.s32 s10, $0x1;
	s10 =	sld [smem:$0x3FAD]  }
0x3d: {  	_ =	shalt  }
0x3e: {  	_ =	shalt  }
0x3f: {  	_ =	shalt  }
0x40: {  	_ =	shalt  }
0x41: {  	_ =	shalt  }
0x42: {  	_ =	shalt  }
0x43: {  	_ =	shalt  }
0x44: {  	_ =	shalt  }
0x45: {  	_ =	shalt  }
0x46: {  	_ =	shalt  }
0x47: {  	_ =	shalt  }
0x48: {  	_ =	shalt  }
0x49: {  	_ =	shalt  }
0x4a: {  	_ =	shalt  }
0x4b: {  	_ =	shalt  }
0x4c: {  	_ =	shalt  }
0x4d: {  	_ =	shalt  }
0x4e: {  	_ =	shalt  }
0x4f: {  	_ =	shalt  }
0x50: {  	_ =	shalt  }
0x51: {  	_ =	shalt  }
0x52: {  	_ =	shalt  }
0x53: {  	_ =	shalt  }
0x54: {  	_ =	shalt  }
0x55: {  	_ =	shalt  }
0x56: {  	_ =	shalt  }
0x57: {  	_ =	shalt  }
0x58: {  	_ =	shalt  }
0x59: {  	_ =	shalt  }
0x5a: {  	_ =	shalt  }
0x5b: {  	_ =	shalt  }
0x5c: {  	_ =	shalt  }
0x5d: {  	_ =	shalt  }
0x5e: {  	_ =	shalt  }
0x5f: {  	_ =	shalt  }
0x60: {  	_ =	shalt  }
0x61: {  	_ =	shalt  }
0x62: {  	_ =	shalt  }
0x63: {  	_ =	shalt  }
0x64: {  	_ =	shalt  }
0x65: {  	_ =	shalt  }
0x66: {  	_ =	shalt  }
0x67: {  	_ =	shalt  }
0x68: {  	_ =	shalt  }
0x69: {  	_ =	shalt  }
0x6a: {  	_ =	shalt  }
0x6b: {  	_ =	shalt  }
0x6c: {  	_ =	shalt  }
0x6d: {  	_ =	shalt  }
0x6e: {  	_ =	shalt  }
0x6f: {  	_ =	shalt  }
0x70: {  	_ =	shalt  }
0x71: {  	_ =	shalt  }
0x72: {  	_ =	shalt  }
0x73: {  	_ =	shalt  }
0x74: {  	_ =	shalt  }
0x75: {  	_ =	shalt  }
0x76: {  	_ =	shalt  }
0x77: {  	_ =	shalt  }
0x78: {  	_ =	shalt  }
0x79: {  	_ =	shalt  }
0x7a: {  	_ =	shalt  }
0x7b: {  	_ =	shalt  }
0x7c: {  	_ =	shalt  }
0x7d: {  	_ =	shalt  }
0x7e: {  	_ =	shalt  }
0x7f: {  	_ =	shalt  }
0x80: {  	_ =	shalt  }
0x81: {  	_ =	shalt  }
0x82: {  	_ =	shalt  }
0x83: {  	_ =	shalt  }
0x84: {  	_ =	shalt  }
0x85: {  	_ =	shalt  }
0x86: {  	_ =	shalt  }
0x87: {  	_ =	shalt  }
.Lfunc_end0:
.L_simem_size_0:
called_computation.3_lowered:
.L_overlay_start_0:
0x88: {  	s2 =	sld [smem:$0x3FD9]  }
0x89: {  	s3 =	sld [smem:$0x3FFE];
	_ =	sdelay $0x1  }
0x8a: {  	s1 =	srdreg.scid  }
0x8b: {  	s0 =	sand.u32 $0x1, s1  }
0x8c: {  	s17 =	sshll.u32 s0, $0xA;
	s2 =	sadd.s32 s3, s2  }
0x8d: {  	s2 =	sadd.s32 s2, s17  }
0x8e: {  	[smem:$0x3FB9] =	sst s2  }
0x8f: {  	_ = 	snop  }
0x90: {  	s2 =	sld [smem:$0x3FC7];
	(tm) =	ssettm $0x1  }
0x91: {  	s18 =	sld [smem:$0x3FFB];
	_ =	sdelay $0x3  }
0x92: {  	_ =	strace s18  }
0x93: {  	s3 =	sld [smem:$0x3FFC];
	_ =	sdelay $0x3  }
0x94: {  	_ =	strace s3  }
0x95: {  	s3 =	sld [smem:$0x3FFD];
	_ =	sdelay $0x3  }
0x96: {  	_ =	strace s3  }
0x97: {  	_ =	strace $0x8FFFFFFF  }
0x98: {  	s19 =	sld [smem:$0x3FDB];
	_ =	sdelay $0x1  }
0x99: {  	s4 =	simm.s32 $_scs_section_size  }
0x9a: {  	s5 =	simm.s32 $_size__tile_overlayer_lowered;
	s6 =	simm.s32 $_tile_overlayer_lowered  }
0x9b: {  	s22 =	simm.s32 $0x1BFF;
	s21 =	sshll.u32 s6, $0x1;
	s3 =	sadd.s32 s4, s19  }
0x9c: {  	s7 =	simm.s32 $0x0;
	s20 =	sshll.u32 s5, $0x1;
	s5 =	sadd.s32 s21, s3  }
0x9d: {  	[timem:s7], [sflag:s22] =	dma.local [hbm:s5], s20  }
0x9e: {  	_ =	swait.ge [sflag:s22], s20  }
0x9f: {  	s4 =	ssub.s32 $0x0, s20;
	[sflag:s22] =	ssyncset.done $0x0  }
0xa0: {  	[sflag:s22] =	ssyncadd.s32 s4;
	_ =	sdelay $0x1  }
0xa1: {  	s23 =	simm.s32 $0x1B8B  }
0xa2: {  	_ =	swait.ge [sflag:s23], $0x1  }
0xa3: {  	[sflag:s23] =	ssyncset.done $0x0  }
0xa4: {  	s25 =	simm.s32 $0x1B8E;
	s24 =	sld [smem:$0x3FFE];
	[sflag:s23] =	ssyncadd.s32 $0xFFFFFFFF  }
0xa5: {  	s26 =	simm.s32 $execute0_lowered;
	[smem:$0x3FD2] =	sst s25  }
0xa6: {  	s5 =	sshll.u32 s26, $0x1;
	_ =	strace $0x8000004F;
	[dreg:$0x1] =	wrdreg $0xFFFFFFFF  }
0xa7: {  	s28 =	simm.s32 $_size_execute0_lowered;
	s3 =	sadd.s32 s3, s5;
	[dreg:$0x0] =	wrdreg $0x0  }
0xa8: {  	s5 =	sshll.u32 s28, $0x1;
	[dreg:$0x2] =	wrdreg s3  }
0xa9: {  	[dreg:$0x3] =	wrdreg s5  }
0xaa: {  	[dreg:$0x4] =	wrdreg $0xC0  }
0xab: {  	_ =	task [dreg:s7], $0x5FFFF  }
0xac: {  	[dreg:$0x1] =	wrdreg $0xFFFFFFFF  }
0xad: {  	[dreg:$0x0] =	wrdreg $0x60  }
0xae: {  	[dreg:$0x2] =	wrdreg s24  }
0xaf: {  	[dreg:$0x3] =	wrdreg s2  }
0xb0: {  	[dreg:$0x4] =	wrdreg $0x9  }
0xb1: {  	_ =	task.clear_ibuf [dreg:s7], $0x5FFFF;
	_ =	strace $0x9000004F  }
0xb2: {  	s29 =	simm.s32 $0x9;
	_ =	strace $0x80000051  }
0xb3: {  	_ =	swait.ge [sflag:s29], $0x1  }
0xb4: {  	[sflag:s29] =	ssyncadd.s32 $0xFFFFFFFF  }
0xb5: {  	_ =	strace $0x90000051  }
0xb6: {  	_ =	sfence  }
0xb7: {  	s30 =	sld [smem:$0x0];
	_ =	sdelay $0x2  }
0xb8: {  	s31 =	sshll.u32 s1, $0xD;
	s1 =	sshrl.u32 s1, $0x2  }
0xb9: {  	s3 =	sand.u32 $0x4000, s31;
	s1 =	sadd.s32 s1, s30  }
0xba: {  	s0 =	sor.u32 s3, s0;
	s1 =	sshll.u32 s1, $0x11  }
0xbb: {  	s0 =	sor.u32 s1, s0  }
0xbc: {  	s0 =	sadd.s32 $0x8F2B, s0  }
0xbd: {  	[sflag:s0] =	ssyncadd.remote.s32 $0x1  }
0xbe: {  	_ =	sfence.sel $0xFFFF  }
0xbf: {  	[dreg:$0x0] =	wrdreg $0xFFFFFFFF;
	(pc) =	sbr.abs _section_cstart, $3  }
0xc0: {  	[dreg:$0x1] =	wrdreg $0xFFFFFFFF  }
0xc1: {  	_ =	task.clear_ibuf [dreg:s7], $0x2FFFF;
	_ =	strace $0x9FFFFFFF  }
0xc2: {  	(tm) =	ssettm $0x7FFFFFFF  }
0xc3: {  	_ =	shalt  }
tec
execute0_lowered:
.L_overlay_start_1:
0x0: {  	(tag) =	ssettag $0x1  }
0x1: {  	s1 =	srdreg.scid  }
0x2: {  	s8 =	rddreg [dreg:$0x0];
	s0 =	stileid.u32  }
0x3: {  	s3 =	rddreg [dreg:$0x1];
	s2 =	simm.s32 $0x0;
	s6 =	sand.u32 $0x1, s1  }
0x4: {  	s5 =	sshll.u32 s0, $0x7;
	s1 =	rddreg [dreg:$0x2];
	s4 =	sshll.u32 s6, $0xB  }
0x5: {  	s7 =	simm.s32 $0x1;
	[smem:$0x7FF] =	sst s2;
	s9 =	sor.u32 s5, s4  }
0x6: {  	_ =	strace $0x80000050;
	s10 =	ssub.s32 $0x2, s6;
	s4 =	sshrl.u32 s9, $0x3  }
0x7: {  	s6 =	simm.s32 $0x80;
	s4 =	sadd.s32 s3, s4;
	s3 =	simm.s32 $0x2  }
0x8: {  	[tilespmem:s2], [sflag:$0x2] =	stream.linear.gather [hbm4b:s4+s2], $0x80, $0x38;
	[tilespmem:$0x4080] =	vst v63  }
0x9: {  	s5 =	sadd.s32 $0x3A00, s8;
	s11 =	sshrl.u32 s10, $0x1;
	_ =	swait.ge [sflag:s3], $0x80  }
0xa: {  	s9 =	sshll.u32 s9, $0x4;
	s31 =	ssub.s32 s10, s11;
	[sflag:s3] =	ssyncset.done $0x0  }
0xb: {  	s8 =	sadd.s32 s9, s8;
	s9 =	smax.u32 s31, $0x1;
	[sflag:s3] =	ssyncadd.s32 $0xFFFFFF80  }
0xc: {  	[tilespmem:s6], [sflag:$0x1] =	stream.indirect.gather [hbm4b:s5+s6], $0x80, s2, s6, $0xb8;
	[tilespmem:$0x4080] =	vst v63  }
0xd: {  	p0 =	sne.s32 s9, $0x1;
	_ =	swait.ge [sflag:s7], $0x4000  }
.Ltmp0:
0xe: {  	[sflag:s7] =	ssyncset.done $0x0;
	(pc) =	sbr.rel @!p0 .LBB2_2-.Ltmp0, $4  }
0xf: {  	s8 =	sadd.s32 $0x2AC00, s8;
	[sflag:s7] =	ssyncadd.s32 $0xFFFFC000  }
0x10: {  	[hbm4b:s8+s2] =	stream.linear.scatter [tilespmem:s6], [sflag:$0x2], $0x4000, $0x38;
	[tilespmem:$0x4080] =	vst v63  }
0x11: {  	_ =	swait.ge [sflag:s3], $0x4000  }
0x12: {  	s9 =	sadd.s32 $0xFFFFFFFF, s9;
	[sflag:s3] =	ssyncset.done $0x0  }
.LBB2_1:
0x13: {  	p0 =	sne.s32 s9, $0x1;
	s9 =	sadd.s32 $0xFFFFFFFF, s9;
	[sflag:s3] =	ssyncadd.s32 $0xFFFFC000  }
0x14: {  	[tilespmem:s2], [sflag:$0x2] =	stream.linear.gather [hbm4b:s4+s2], $0x80, $0x38;
	[tilespmem:$0x4080] =	vst v63  }
0x15: {  	_ =	swait.ge [sflag:s3], $0x80  }
0x16: {  	[sflag:s3] =	ssyncset.done $0x0  }
0x17: {  	[sflag:s3] =	ssyncadd.s32 $0xFFFFFF80  }
0x18: {  	[tilespmem:s6], [sflag:$0x1] =	stream.indirect.gather [hbm4b:s5+s6], $0x80, s2, s6, $0xb8;
	[tilespmem:$0x4080] =	vst v63  }
0x19: {  	_ =	swait.ge [sflag:s7], $0x4000  }
.Ltmp1:
0x1a: {  	[sflag:s7] =	ssyncset.done $0x0;
	(pc) =	sbr.rel @p0 .LBB2_1-.Ltmp1, $4  }
0x1b: {  	[sflag:s7] =	ssyncadd.s32 $0xFFFFC000  }
0x1c: {  	[hbm4b:s8+s2] =	stream.linear.scatter [tilespmem:s6], [sflag:$0x2], $0x4000, $0x38;
	[tilespmem:$0x4080] =	vst v63  }
0x1d: {  	_ =	swait.ge [sflag:s3], $0x4000  }
0x1e: {  	[sflag:s3] =	ssyncset.done $0x0  }
.LBB2_2:
0x1f: {  	[sflag:s3] =	ssyncadd.s32 $0xFFFFC000  }
0x20: {  	_ =	sfence.sel $0x180000  }
0x21: {  	[bflag:$0x0] =	sbarrier.arrive $0xFFFF  }
0x22: {  	p0 =	sne.s32 s0, $0x0;
	_ =	strace $0x90000050  }
0x23: {  	s0 =	sadd.s32 @!p0 $0x100000, s1;
	[bflag:$0x2] =	sbarrier.arrive $0xFFFF  }
0x24: {  	[sflag:s0] =	ssyncadd.tile.s32 @!p0 $0x1;
	_ =	shalt  }
.Lfunc_end2:
_tile_overlayer_lowered:
.L_overlay_start_2:
0x25: {  	(tag) =	ssettag $0x2  }
0x26: {  	s0 =	rddreg [dreg:$0x0];
	s2 =	stileid.u32  }
0x27: {  	s1 =	rddreg [dreg:$0x1];
	p0 =	sne.s32 s2, $0x0  }
0x28: {  	s3 =	rddreg [dreg:$0x2];
	[bflag:$0x3] =	sbarrier.arrive $0xFFFF;
	s2 =	simm.s32 @!p0 $0x1C02  }
0x29: {  	[timem:s3], [sflag:s2] =	dma.local @!p0 [hbm:s0], s1  }
0x2a: {  	s0 =	simm.s32 @!p0 $0x2  }
0x2b: {  	_ =	swait.ge @!p0 [sflag:s0], s1  }
0x2c: {  	s1 =	ssub.s32 @!p0 $0x0, s1;
	[sflag:s0] =	ssyncset.done @!p0 $0x0  }
0x2d: {  	[sflag:s0] =	ssyncadd.s32 @!p0 s1  }
0x2e: {  	[bflag:$0x3] =	sbarrier.arrive $0xFFFF  }
0x2f: {  	_ =	shalt  }

</sc_bundles>
